<compile_context>
chip_gen: v7x
topology: tpu7x:2x2x1
jax: 0.10.2.dev20260603
libtpu: 0.0.44.dev20260713+nightly
codegen_flags: <defaults>
</compile_context>

<pallas_src>
import functools

import jax
import jax.numpy as jnp
from jax import lax
from jax.experimental import pallas as pl
from jax.experimental.pallas import tpu as pltpu
from jax.experimental.pallas import tpu_sc as plsc

_COMMITMENT_COST = 0.25
_NT = 1024
_NW = 32
_CHUNK = 128


def _prep_body(cb_ref, cbm2t_ref, c2_ref, ktab_ref):
    cb = cb_ref[...]
    cbm2t_ref[...] = jnp.swapaxes((-2.0 * cb).astype(jnp.bfloat16), 0, 1)
    c2 = jnp.sum(cb * cb, axis=1, keepdims=True)
    c2_ref[...] = jnp.swapaxes(c2, 0, 1)
    kk = cb_ref.shape[0]
    kcol = jax.lax.broadcasted_iota(jnp.int32, (kk, 8), 0)
    ccol = jax.lax.broadcasted_iota(jnp.int32, (kk, 8), 1)
    hi = (kcol // 16).astype(jnp.float32)
    lo = (kcol % 16).astype(jnp.float32)
    ktab = jnp.where(ccol == 0, hi,
                     jnp.where(ccol == 1, lo,
                               jnp.where(ccol == 2, 1.0, 0.0)))
    ktab_ref[...] = ktab


def _vq_body(z_ref, cbm2t_ref, c2_ref, ktab_ref, idx_ref, ls_ref):
    k = cbm2t_ref.shape[1]
    nt = z_ref.shape[0]
    zt = z_ref[...]
    s_neg = jax.lax.dot_general(
        zt.astype(jnp.bfloat16), cbm2t_ref[...],
        (((1,), (0,)), ((), ())),
        preferred_element_type=jnp.float32)
    z2 = jnp.sum(zt * zt, axis=1, keepdims=True)
    dist = (z2 + s_neg) + c2_ref[...]
    mins = jnp.min(dist, axis=1, keepdims=True)
    mask = jnp.where(dist == mins, 1.0, 0.0)
    r = jax.lax.dot_general(mask, ktab_ref[...],
                            (((1,), (0,)), ((), ())),
                            preferred_element_type=jnp.float32)
    cnt = r[:, 2:3]

    @pl.when(jnp.max(cnt) < 1.5)
    def _fast():
        idxf = (r[:, 0:1] * 16.0 + r[:, 1:2]).astype(jnp.int32)
        idx_ref[0] = jnp.swapaxes(idxf, 0, 1)

    @pl.when(jnp.max(cnt) >= 1.5)
    def _tie():
        kiota = jax.lax.broadcasted_iota(jnp.int32, (nt, k), 1)
        idx = jnp.min(jnp.where(dist == mins, kiota, k),
                      axis=1, keepdims=True)
        idx_ref[0] = jnp.swapaxes(idx, 0, 1)

    @pl.when(pl.program_id(0) == 0)
    def _init():
        ls_ref[...] = jnp.zeros_like(ls_ref)

    ls_ref[...] += mins


def _sc_body(cb_ref, idx_ref, zq_ref, idx_v, rows_v, sem0, sem1, so0, so1,
             *, n, chunk):
    per_w = n // _NW
    nchunk = per_w // chunk
    wid = lax.axis_index("s") * 2 + lax.axis_index("c")
    base = wid * per_w
    pltpu.sync_copy(idx_ref.at[pl.ds(base, per_w)], idx_v)
    gsems = (sem0, sem1)
    osems = (so0, so1)
    out_h = [None, None]
    for c in range(nchunk):
        buf = c % 2
        if out_h[buf] is not None:
            out_h[buf].wait()
        pltpu.async_copy(
            cb_ref.at[idx_v.at[pl.ds(c * chunk, chunk)]],
            rows_v.at[buf], gsems[buf]).wait()
        out_h[buf] = pltpu.async_copy(
            rows_v.at[buf], zq_ref.at[pl.ds(base + c * chunk, chunk)],
            osems[buf])
    out_h[0].wait()
    out_h[1].wait()


def kernel(z, codebook):
    b, d, h, w = z.shape
    kk = codebook.shape[0]
    hw = h * w
    n = b * hw
    nt = min(_NT, n)
    grid = n // nt
    zr = z.transpose(0, 2, 3, 1).reshape(n, d)

    cbm2t, c2, ktab = pl.pallas_call(
        _prep_body,
        out_shape=[
            jax.ShapeDtypeStruct((d, kk), jnp.bfloat16),
            jax.ShapeDtypeStruct((1, kk), jnp.float32),
            jax.ShapeDtypeStruct((kk, 8), jnp.float32),
        ],
    )(codebook)

    idx, ls = pl.pallas_call(
        _vq_body,
        grid=(grid,),
        in_specs=[
            pl.BlockSpec((nt, d), lambda i: (i, 0)),
            pl.BlockSpec((d, kk), lambda i: (0, 0)),
            pl.BlockSpec((1, kk), lambda i: (0, 0)),
            pl.BlockSpec((kk, 8), lambda i: (0, 0)),
        ],
        out_specs=[
            pl.BlockSpec((1, 1, nt), lambda i: (i, 0, 0)),
            pl.BlockSpec((nt, 1), lambda i: (0, 0)),
        ],
        out_shape=[
            jax.ShapeDtypeStruct((grid, 1, nt), jnp.int32),
            jax.ShapeDtypeStruct((nt, 1), jnp.float32),
        ],
    )(zr, cbm2t, c2, ktab)

    sc = pl.kernel(
        functools.partial(_sc_body, n=n, chunk=_CHUNK),
        out_type=jax.ShapeDtypeStruct((n, d), jnp.float32),
        mesh=plsc.VectorSubcoreMesh(core_axis_name="c", subcore_axis_name="s"),
        compiler_params=pltpu.CompilerParams(needs_layout_passes=False),
        scratch_types=[
            pltpu.VMEM((n // _NW,), jnp.int32),
            pltpu.VMEM((2, _CHUNK, d), jnp.float32),
            pltpu.SemaphoreType.DMA,
            pltpu.SemaphoreType.DMA,
            pltpu.SemaphoreType.DMA,
            pltpu.SemaphoreType.DMA,
        ],
    )
    zq = sc(codebook, idx.reshape(-1))

    zq_out = zq.reshape(b, h, w, d).transpose(0, 3, 1, 2)
    idx_out = idx.reshape(b, h, w)
    mse = jnp.sum(ls) / (b * d * hw)
    vq_loss = mse + _COMMITMENT_COST * mse
    return zq_out, idx_out, vq_loss

# --- scband reference (transcript-rebuilt; emitter-appended) ---
"""Pipeline reference for scband-vector-quantizer-48962627174912 (READ-ONLY COPY).

The authoritative reference and input builder live on the scoring server;
editing this copy changes nothing except your own understanding.
"""

import jax, jax.numpy as jnp
import numpy as np

NUM_EMBEDDINGS = 4096
EMBEDDING_DIM = 256
COMMITMENT_COST = 0.25


def setup_inputs(seed: int = 0) -> dict:
    key = jax.random.key(seed)
    k1, k2 = jax.random.split(key)
    z = jax.random.normal(k1, (16, EMBEDDING_DIM, 32, 32), dtype=jnp.float32)
    codebook = jax.random.normal(k2, (NUM_EMBEDDINGS, EMBEDDING_DIM), dtype=jnp.float32) * 0.02
    return {"z": z, "codebook": codebook}


def reference(z, codebook):
    B, D, H, W = z.shape
    # (B, D, H, W) -> (B, H, W, D)
    z_perm = jnp.transpose(z, (0, 2, 3, 1))
    flat = z_perm.reshape(-1, D)  # (B*H*W, D)
    # Squared euclidean distances to all codebook entries
    dists = (
        jnp.sum(flat ** 2, axis=1, keepdims=True)
        - 2.0 * flat @ codebook.T
        + jnp.sum(codebook ** 2, axis=1)[None, :]
    )  # (B*H*W, K)
    indices = jnp.argmin(dists, axis=1)  # (B*H*W,)
    z_q = jnp.take(codebook, indices, axis=0).reshape(B, H, W, D)
    # VQ losses
    e_latent_loss = jnp.mean((jax.lax.stop_gradient(z_q) - z_perm) ** 2)
    q_latent_loss = jnp.mean((z_q - jax.lax.stop_gradient(z_perm)) ** 2)
    vq_loss = q_latent_loss + COMMITMENT_COST * e_latent_loss
    # Straight-through estimator
    z_q_st = z_perm + jax.lax.stop_gradient(z_q - z_perm)
    z_q_out = jnp.transpose(z_q_st, (0, 3, 1, 2))  # back to (B, D, H, W)
    indices_out = indices.reshape(B, H, W)
    return z_q_out, indices_out, vq_loss

if __name__ == "__main__":
    import jax
    _d = setup_inputs()
    print(jax.jit(kernel)(*tuple(_d.values())))

</pallas_src>

<mosaic_0001>
#map = affine_map<(d0, d1) -> (0, 0)>
#map1 = affine_map<(d0, d1) -> (0)>
module attributes {stable_mosaic.version = 14 : i64} {
  func.func @_sc_body(%arg0: i32, %arg1: i32, %arg2: memref<4096x256xf32, #tpu.memory_space<hbm>>, %arg3: memref<16384xi32, #tpu.memory_space<hbm>>, %arg4: memref<16384x256xf32, #tpu.memory_space<hbm>>, %arg5: memref<512xi32, #tpu.memory_space<vmem>>, %arg6: memref<2x128x256xf32, #tpu.memory_space<vmem>>, %arg7: memref<!tpu.dma_semaphore, #tpu.memory_space<semaphore_mem>>, %arg8: memref<!tpu.dma_semaphore, #tpu.memory_space<semaphore_mem>>, %arg9: memref<!tpu.dma_semaphore, #tpu.memory_space<semaphore_mem>>, %arg10: memref<!tpu.dma_semaphore, #tpu.memory_space<semaphore_mem>>) attributes {dimension_semantics = [#tpu.dimension_semantics<core_parallel>, #tpu.dimension_semantics<subcore_parallel>], iteration_bounds = array<i64: 2, 16>, scalar_prefetch = 0 : i64, scratch_operands = 6 : i64, tpu.core_type = #tpu.core_type<sc_vector_subcore>, window_params = [{transform_indices = #map}, {transform_indices = #map1}, {transform_indices = #map}]} {
    %mul3A = arith.constant 2 : i32
    %mul3A_0 = arith.muli %arg1, %mul3A : i32
    %add3A = arith.addi %mul3A_0, %arg0 : i32
    %mul3A_1 = arith.constant 512 : i32
    %mul3A_2 = arith.muli %add3A, %mul3A_1 : i32
    "tpu.region"() ({
      %run_scoped3A = tpu.sem_alloc : memref<!tpu.dma_semaphore, #tpu.memory_space<semaphore_mem>>
      %dma_start3A_193 = tpu.memref_slice %arg3[%mul3A_2] : memref<16384xi32, #tpu.memory_space<hbm>> -> memref<512xi32, #tpu.memory_space<hbm>>
      %dma_start3A_194 = tpu.memref_slice %arg3[%mul3A_2] : memref<16384xi32, #tpu.memory_space<hbm>> -> memref<512xi32, #tpu.memory_space<hbm>>
      tpu.enqueue_dma source(%dma_start3A_194 : memref<512xi32, #tpu.memory_space<hbm>>) target(%arg5 : memref<512xi32, #tpu.memory_space<vmem>>) target_semaphore(%run_scoped3A : memref<!tpu.dma_semaphore, #tpu.memory_space<semaphore_mem>>)
      %dma_wait3A_195 = tpu.memref_slice %arg3[%mul3A_2] : memref<16384xi32, #tpu.memory_space<hbm>> -> memref<512xi32, #tpu.memory_space<hbm>>
      %dma_wait3A_196 = tpu.memref_slice %arg3[%mul3A_2] : memref<16384xi32, #tpu.memory_space<hbm>> -> memref<512xi32, #tpu.memory_space<hbm>>
      tpu.wait_dma2 semaphore(%run_scoped3A : memref<!tpu.dma_semaphore, #tpu.memory_space<semaphore_mem>>) src(%dma_wait3A_196 : memref<512xi32, #tpu.memory_space<hbm>>) dst(%arg5 : memref<512xi32, #tpu.memory_space<vmem>>)
      tpu.yield
    }) : () -> ()
    %dma_start3A = arith.constant 0 : i32
    %dma_start3A_3 = arith.constant 0 : i32
    %dma_start3A_4 = arith.constant 0 : i32
    %dma_start3A_5 = tpu.memref_slice %arg6[%dma_start3A, %dma_start3A_3, %dma_start3A_4] : memref<2x128x256xf32, #tpu.memory_space<vmem>> -> memref<1x128x256xf32, #tpu.memory_space<vmem>>
    %dma_start3A_6 = tpu.memref_squeeze %dma_start3A_5 : memref<1x128x256xf32, #tpu.memory_space<vmem>> -> memref<128x256xf32, #tpu.memory_space<vmem>>
    %dma_start3A_7 = arith.constant 0 : i32
    %dma_start3A_8 = tpu.memref_slice %arg5[%dma_start3A_7] : memref<512xi32, #tpu.memory_space<vmem>> -> memref<128xi32, #tpu.memory_space<vmem>>
    %dma_start3A_9 = arith.constant 0 : i32
    %dma_start3A_10 = arith.constant 0 : i32
    %dma_start3A_11 = tpu.memref_slice %arg2[%dma_start3A_9, %dma_start3A_10] : memref<4096x256xf32, #tpu.memory_space<hbm>> -> memref<4096x256xf32, #tpu.memory_space<hbm>>
    tpu.enqueue_indirect_dma source(%dma_start3A_11 : memref<4096x256xf32, #tpu.memory_space<hbm>>) target(%dma_start3A_6 : memref<128x256xf32, #tpu.memory_space<vmem>>) offsets(%dma_start3A_8 : memref<128xi32, #tpu.memory_space<vmem>>) semaphore(%arg7 : memref<!tpu.dma_semaphore, #tpu.memory_space<semaphore_mem>>)
    %dma_wait3A = arith.constant 0 : i32
    %dma_wait3A_12 = arith.constant 0 : i32
    %dma_wait3A_13 = arith.constant 0 : i32
    %dma_wait3A_14 = tpu.memref_slice %arg6[%dma_wait3A, %dma_wait3A_12, %dma_wait3A_13] : memref<2x128x256xf32, #tpu.memory_space<vmem>> -> memref<1x128x256xf32, #tpu.memory_space<vmem>>
    %dma_wait3A_15 = tpu.memref_squeeze %dma_wait3A_14 : memref<1x128x256xf32, #tpu.memory_space<vmem>> -> memref<128x256xf32, #tpu.memory_space<vmem>>
    %dma_wait3A_16 = arith.constant 0 : i32
    %dma_wait3A_17 = tpu.memref_slice %arg5[%dma_wait3A_16] : memref<512xi32, #tpu.memory_space<vmem>> -> memref<128xi32, #tpu.memory_space<vmem>>
    %dma_wait3A_18 = arith.constant 0 : i32
    %dma_wait3A_19 = arith.constant 0 : i32
    %dma_wait3A_20 = tpu.memref_slice %arg2[%dma_wait3A_18, %dma_wait3A_19] : memref<4096x256xf32, #tpu.memory_space<hbm>> -> memref<4096x256xf32, #tpu.memory_space<hbm>>
    tpu.wait_indirect_dma semaphore(%arg7 : memref<!tpu.dma_semaphore, #tpu.memory_space<semaphore_mem>>) src(%dma_wait3A_20 : memref<4096x256xf32, #tpu.memory_space<hbm>>) dst(%dma_wait3A_15 : memref<128x256xf32, #tpu.memory_space<vmem>>)
    %add3A_21 = arith.constant 0 : i32
    %add3A_22 = arith.addi %mul3A_2, %add3A_21 : i32
    %dma_start3A_23 = arith.constant 0 : i32
    %dma_start3A_24 = arith.constant 0 : i32
    %dma_start3A_25 = arith.constant 0 : i32
    %dma_start3A_26 = tpu.memref_slice %arg6[%dma_start3A_23, %dma_start3A_24, %dma_start3A_25] : memref<2x128x256xf32, #tpu.memory_space<vmem>> -> memref<1x128x256xf32, #tpu.memory_space<vmem>>
    %dma_start3A_27 = tpu.memref_squeeze %dma_start3A_26 : memref<1x128x256xf32, #tpu.memory_space<vmem>> -> memref<128x256xf32, #tpu.memory_space<vmem>>
    %dma_start3A_28 = arith.constant 0 : i32
    %dma_start3A_29 = tpu.memref_slice %arg4[%add3A_22, %dma_start3A_28] : memref<16384x256xf32, #tpu.memory_space<hbm>> -> memref<128x256xf32, #tpu.memory_space<hbm>>
    %dma_start3A_30 = arith.constant 0 : i32
    %dma_start3A_31 = tpu.memref_slice %arg4[%add3A_22, %dma_start3A_30] : memref<16384x256xf32, #tpu.memory_space<hbm>> -> memref<128x256xf32, #tpu.memory_space<hbm>>
    %dma_start3A_32 = arith.constant 0 : i32
    %dma_start3A_33 = arith.constant 0 : i32
    %dma_start3A_34 = tpu.memref_slice %arg6[%dma_start3A_23, %dma_start3A_32, %dma_start3A_33] : memref<2x128x256xf32, #tpu.memory_space<vmem>> -> memref<1x128x256xf32, #tpu.memory_space<vmem>>
    %dma_start3A_35 = tpu.memref_squeeze %dma_start3A_34 : memref<1x128x256xf32, #tpu.memory_space<vmem>> -> memref<128x256xf32, #tpu.memory_space<vmem>>
    tpu.enqueue_dma source(%dma_start3A_35 : memref<128x256xf32, #tpu.memory_space<vmem>>) target(%dma_start3A_31 : memref<128x256xf32, #tpu.memory_space<hbm>>) target_semaphore(%arg9 : memref<!tpu.dma_semaphore, #tpu.memory_space<semaphore_mem>>)
    %dma_start3A_36 = arith.constant 1 : i32
    %dma_start3A_37 = arith.constant 0 : i32
    %dma_start3A_38 = arith.constant 0 : i32
    %dma_start3A_39 = tpu.memref_slice %arg6[%dma_start3A_36, %dma_start3A_37, %dma_start3A_38] : memref<2x128x256xf32, #tpu.memory_space<vmem>> -> memref<1x128x256xf32, #tpu.memory_space<vmem>>
    %dma_start3A_40 = tpu.memref_squeeze %dma_start3A_39 : memref<1x128x256xf32, #tpu.memory_space<vmem>> -> memref<128x256xf32, #tpu.memory_space<vmem>>
    %dma_start3A_41 = arith.constant 128 : i32
    %dma_start3A_42 = tpu.memref_slice %arg5[%dma_start3A_41] : memref<512xi32, #tpu.memory_space<vmem>> -> memref<128xi32, #tpu.memory_space<vmem>>
    %dma_start3A_43 = arith.constant 0 : i32
    %dma_start3A_44 = arith.constant 0 : i32
    %dma_start3A_45 = tpu.memref_slice %arg2[%dma_start3A_43, %dma_start3A_44] : memref<4096x256xf32, #tpu.memory_space<hbm>> -> memref<4096x256xf32, #tpu.memory_space<hbm>>
    tpu.enqueue_indirect_dma source(%dma_start3A_45 : memref<4096x256xf32, #tpu.memory_space<hbm>>) target(%dma_start3A_40 : memref<128x256xf32, #tpu.memory_space<vmem>>) offsets(%dma_start3A_42 : memref<128xi32, #tpu.memory_space<vmem>>) semaphore(%arg8 : memref<!tpu.dma_semaphore, #tpu.memory_space<semaphore_mem>>)
    %dma_wait3A_46 = arith.constant 1 : i32
    %dma_wait3A_47 = arith.constant 0 : i32
    %dma_wait3A_48 = arith.constant 0 : i32
    %dma_wait3A_49 = tpu.memref_slice %arg6[%dma_wait3A_46, %dma_wait3A_47, %dma_wait3A_48] : memref<2x128x256xf32, #tpu.memory_space<vmem>> -> memref<1x128x256xf32, #tpu.memory_space<vmem>>
    %dma_wait3A_50 = tpu.memref_squeeze %dma_wait3A_49 : memref<1x128x256xf32, #tpu.memory_space<vmem>> -> memref<128x256xf32, #tpu.memory_space<vmem>>
    %dma_wait3A_51 = arith.constant 128 : i32
    %dma_wait3A_52 = tpu.memref_slice %arg5[%dma_wait3A_51] : memref<512xi32, #tpu.memory_space<vmem>> -> memref<128xi32, #tpu.memory_space<vmem>>
    %dma_wait3A_53 = arith.constant 0 : i32
    %dma_wait3A_54 = arith.constant 0 : i32
    %dma_wait3A_55 = tpu.memref_slice %arg2[%dma_wait3A_53, %dma_wait3A_54] : memref<4096x256xf32, #tpu.memory_space<hbm>> -> memref<4096x256xf32, #tpu.memory_space<hbm>>
    tpu.wait_indirect_dma semaphore(%arg8 : memref<!tpu.dma_semaphore, #tpu.memory_space<semaphore_mem>>) src(%dma_wait3A_55 : memref<4096x256xf32, #tpu.memory_space<hbm>>) dst(%dma_wait3A_50 : memref<128x256xf32, #tpu.memory_space<vmem>>)
    %add3A_56 = arith.constant 128 : i32
    %add3A_57 = arith.addi %mul3A_2, %add3A_56 : i32
    %dma_start3A_58 = arith.constant 1 : i32
    %dma_start3A_59 = arith.constant 0 : i32
    %dma_start3A_60 = arith.constant 0 : i32
    %dma_start3A_61 = tpu.memref_slice %arg6[%dma_start3A_58, %dma_start3A_59, %dma_start3A_60] : memref<2x128x256xf32, #tpu.memory_space<vmem>> -> memref<1x128x256xf32, #tpu.memory_space<vmem>>
    %dma_start3A_62 = tpu.memref_squeeze %dma_start3A_61 : memref<1x128x256xf32, #tpu.memory_space<vmem>> -> memref<128x256xf32, #tpu.memory_space<vmem>>
    %dma_start3A_63 = arith.constant 0 : i32
    %dma_start3A_64 = tpu.memref_slice %arg4[%add3A_57, %dma_start3A_63] : memref<16384x256xf32, #tpu.memory_space<hbm>> -> memref<128x256xf32, #tpu.memory_space<hbm>>
    %dma_start3A_65 = arith.constant 0 : i32
    %dma_start3A_66 = tpu.memref_slice %arg4[%add3A_57, %dma_start3A_65] : memref<16384x256xf32, #tpu.memory_space<hbm>> -> memref<128x256xf32, #tpu.memory_space<hbm>>
    %dma_start3A_67 = arith.constant 0 : i32
    %dma_start3A_68 = arith.constant 0 : i32
    %dma_start3A_69 = tpu.memref_slice %arg6[%dma_start3A_58, %dma_start3A_67, %dma_start3A_68] : memref<2x128x256xf32, #tpu.memory_space<vmem>> -> memref<1x128x256xf32, #tpu.memory_space<vmem>>
    %dma_start3A_70 = tpu.memref_squeeze %dma_start3A_69 : memref<1x128x256xf32, #tpu.memory_space<vmem>> -> memref<128x256xf32, #tpu.memory_space<vmem>>
    tpu.enqueue_dma source(%dma_start3A_70 : memref<128x256xf32, #tpu.memory_space<vmem>>) target(%dma_start3A_66 : memref<128x256xf32, #tpu.memory_space<hbm>>) target_semaphore(%arg10 : memref<!tpu.dma_semaphore, #tpu.memory_space<semaphore_mem>>)
    %dma_wait3A_71 = arith.constant 0 : i32
    %dma_wait3A_72 = arith.constant 0 : i32
    %dma_wait3A_73 = arith.constant 0 : i32
    %dma_wait3A_74 = tpu.memref_slice %arg6[%dma_wait3A_71, %dma_wait3A_72, %dma_wait3A_73] : memref<2x128x256xf32, #tpu.memory_space<vmem>> -> memref<1x128x256xf32, #tpu.memory_space<vmem>>
    %dma_wait3A_75 = tpu.memref_squeeze %dma_wait3A_74 : memref<1x128x256xf32, #tpu.memory_space<vmem>> -> memref<128x256xf32, #tpu.memory_space<vmem>>
    %dma_wait3A_76 = arith.constant 0 : i32
    %dma_wait3A_77 = tpu.memref_slice %arg4[%add3A_22, %dma_wait3A_76] : memref<16384x256xf32, #tpu.memory_space<hbm>> -> memref<128x256xf32, #tpu.memory_space<hbm>>
    %dma_wait3A_78 = arith.constant 0 : i32
    %dma_wait3A_79 = tpu.memref_slice %arg4[%add3A_22, %dma_wait3A_78] : memref<16384x256xf32, #tpu.memory_space<hbm>> -> memref<128x256xf32, #tpu.memory_space<hbm>>
    %dma_wait3A_80 = arith.constant 0 : i32
    %dma_wait3A_81 = arith.constant 0 : i32
    %dma_wait3A_82 = tpu.memref_slice %arg6[%dma_wait3A_71, %dma_wait3A_80, %dma_wait3A_81] : memref<2x128x256xf32, #tpu.memory_space<vmem>> -> memref<1x128x256xf32, #tpu.memory_space<vmem>>
    %dma_wait3A_83 = tpu.memref_squeeze %dma_wait3A_82 : memref<1x128x256xf32, #tpu.memory_space<vmem>> -> memref<128x256xf32, #tpu.memory_space<vmem>>
    tpu.wait_dma2 semaphore(%arg9 : memref<!tpu.dma_semaphore, #tpu.memory_space<semaphore_mem>>) src(%dma_wait3A_83 : memref<128x256xf32, #tpu.memory_space<vmem>>) dst(%dma_wait3A_79 : memref<128x256xf32, #tpu.memory_space<hbm>>)
    %dma_start3A_84 = arith.constant 0 : i32
    %dma_start3A_85 = arith.constant 0 : i32
    %dma_start3A_86 = arith.constant 0 : i32
    %dma_start3A_87 = tpu.memref_slice %arg6[%dma_start3A_84, %dma_start3A_85, %dma_start3A_86] : memref<2x128x256xf32, #tpu.memory_space<vmem>> -> memref<1x128x256xf32, #tpu.memory_space<vmem>>
    %dma_start3A_88 = tpu.memref_squeeze %dma_start3A_87 : memref<1x128x256xf32, #tpu.memory_space<vmem>> -> memref<128x256xf32, #tpu.memory_space<vmem>>
    %dma_start3A_89 = arith.constant 256 : i32
    %dma_start3A_90 = tpu.memref_slice %arg5[%dma_start3A_89] : memref<512xi32, #tpu.memory_space<vmem>> -> memref<128xi32, #tpu.memory_space<vmem>>
    %dma_start3A_91 = arith.constant 0 : i32
    %dma_start3A_92 = arith.constant 0 : i32
    %dma_start3A_93 = tpu.memref_slice %arg2[%dma_start3A_91, %dma_start3A_92] : memref<4096x256xf32, #tpu.memory_space<hbm>> -> memref<4096x256xf32, #tpu.memory_space<hbm>>
    tpu.enqueue_indirect_dma source(%dma_start3A_93 : memref<4096x256xf32, #tpu.memory_space<hbm>>) target(%dma_start3A_88 : memref<128x256xf32, #tpu.memory_space<vmem>>) offsets(%dma_start3A_90 : memref<128xi32, #tpu.memory_space<vmem>>) semaphore(%arg7 : memref<!tpu.dma_semaphore, #tpu.memory_space<semaphore_mem>>)
    %dma_wait3A_94 = arith.constant 0 : i32
    %dma_wait3A_95 = arith.constant 0 : i32
    %dma_wait3A_96 = arith.constant 0 : i32
    %dma_wait3A_97 = tpu.memref_slice %arg6[%dma_wait3A_94, %dma_wait3A_95, %dma_wait3A_96] : memref<2x128x256xf32, #tpu.memory_space<vmem>> -> memref<1x128x256xf32, #tpu.memory_space<vmem>>
    %dma_wait3A_98 = tpu.memref_squeeze %dma_wait3A_97 : memref<1x128x256xf32, #tpu.memory_space<vmem>> -> memref<128x256xf32, #tpu.memory_space<vmem>>
    %dma_wait3A_99 = arith.constant 256 : i32
    %dma_wait3A_100 = tpu.memref_slice %arg5[%dma_wait3A_99] : memref<512xi32, #tpu.memory_space<vmem>> -> memref<128xi32, #tpu.memory_space<vmem>>
    %dma_wait3A_101 = arith.constant 0 : i32
    %dma_wait3A_102 = arith.constant 0 : i32
    %dma_wait3A_103 = tpu.memref_slice %arg2[%dma_wait3A_101, %dma_wait3A_102] : memref<4096x256xf32, #tpu.memory_space<hbm>> -> memref<4096x256xf32, #tpu.memory_space<hbm>>
    tpu.wait_indirect_dma semaphore(%arg7 : memref<!tpu.dma_semaphore, #tpu.memory_space<semaphore_mem>>) src(%dma_wait3A_103 : memref<4096x256xf32, #tpu.memory_space<hbm>>) dst(%dma_wait3A_98 : memref<128x256xf32, #tpu.memory_space<vmem>>)
    %add3A_104 = arith.constant 256 : i32
    %add3A_105 = arith.addi %mul3A_2, %add3A_104 : i32
    %dma_start3A_106 = arith.constant 0 : i32
    %dma_start3A_107 = arith.constant 0 : i32
    %dma_start3A_108 = arith.constant 0 : i32
    %dma_start3A_109 = tpu.memref_slice %arg6[%dma_start3A_106, %dma_start3A_107, %dma_start3A_108] : memref<2x128x256xf32, #tpu.memory_space<vmem>> -> memref<1x128x256xf32, #tpu.memory_space<vmem>>
    %dma_start3A_110 = tpu.memref_squeeze %dma_start3A_109 : memref<1x128x256xf32, #tpu.memory_space<vmem>> -> memref<128x256xf32, #tpu.memory_space<vmem>>
    %dma_start3A_111 = arith.constant 0 : i32
    %dma_start3A_112 = tpu.memref_slice %arg4[%add3A_105, %dma_start3A_111] : memref<16384x256xf32, #tpu.memory_space<hbm>> -> memref<128x256xf32, #tpu.memory_space<hbm>>
    %dma_start3A_113 = arith.constant 0 : i32
    %dma_start3A_114 = tpu.memref_slice %arg4[%add3A_105, %dma_start3A_113] : memref<16384x256xf32, #tpu.memory_space<hbm>> -> memref<128x256xf32, #tpu.memory_space<hbm>>
    %dma_start3A_115 = arith.constant 0 : i32
    %dma_start3A_116 = arith.constant 0 : i32
    %dma_start3A_117 = tpu.memref_slice %arg6[%dma_start3A_106, %dma_start3A_115, %dma_start3A_116] : memref<2x128x256xf32, #tpu.memory_space<vmem>> -> memref<1x128x256xf32, #tpu.memory_space<vmem>>
    %dma_start3A_118 = tpu.memref_squeeze %dma_start3A_117 : memref<1x128x256xf32, #tpu.memory_space<vmem>> -> memref<128x256xf32, #tpu.memory_space<vmem>>
    tpu.enqueue_dma source(%dma_start3A_118 : memref<128x256xf32, #tpu.memory_space<vmem>>) target(%dma_start3A_114 : memref<128x256xf32, #tpu.memory_space<hbm>>) target_semaphore(%arg9 : memref<!tpu.dma_semaphore, #tpu.memory_space<semaphore_mem>>)
    %dma_wait3A_119 = arith.constant 1 : i32
    %dma_wait3A_120 = arith.constant 0 : i32
    %dma_wait3A_121 = arith.constant 0 : i32
    %dma_wait3A_122 = tpu.memref_slice %arg6[%dma_wait3A_119, %dma_wait3A_120, %dma_wait3A_121] : memref<2x128x256xf32, #tpu.memory_space<vmem>> -> memref<1x128x256xf32, #tpu.memory_space<vmem>>
    %dma_wait3A_123 = tpu.memref_squeeze %dma_wait3A_122 : memref<1x128x256xf32, #tpu.memory_space<vmem>> -> memref<128x256xf32, #tpu.memory_space<vmem>>
    %dma_wait3A_124 = arith.constant 0 : i32
    %dma_wait3A_125 = tpu.memref_slice %arg4[%add3A_57, %dma_wait3A_124] : memref<16384x256xf32, #tpu.memory_space<hbm>> -> memref<128x256xf32, #tpu.memory_space<hbm>>
    %dma_wait3A_126 = arith.constant 0 : i32
    %dma_wait3A_127 = tpu.memref_slice %arg4[%add3A_57, %dma_wait3A_126] : memref<16384x256xf32, #tpu.memory_space<hbm>> -> memref<128x256xf32, #tpu.memory_space<hbm>>
    %dma_wait3A_128 = arith.constant 0 : i32
    %dma_wait3A_129 = arith.constant 0 : i32
    %dma_wait3A_130 = tpu.memref_slice %arg6[%dma_wait3A_119, %dma_wait3A_128, %dma_wait3A_129] : memref<2x128x256xf32, #tpu.memory_space<vmem>> -> memref<1x128x256xf32, #tpu.memory_space<vmem>>
    %dma_wait3A_131 = tpu.memref_squeeze %dma_wait3A_130 : memref<1x128x256xf32, #tpu.memory_space<vmem>> -> memref<128x256xf32, #tpu.memory_space<vmem>>
    tpu.wait_dma2 semaphore(%arg10 : memref<!tpu.dma_semaphore, #tpu.memory_space<semaphore_mem>>) src(%dma_wait3A_131 : memref<128x256xf32, #tpu.memory_space<vmem>>) dst(%dma_wait3A_127 : memref<128x256xf32, #tpu.memory_space<hbm>>)
    %dma_start3A_132 = arith.constant 1 : i32
    %dma_start3A_133 = arith.constant 0 : i32
    %dma_start3A_134 = arith.constant 0 : i32
    %dma_start3A_135 = tpu.memref_slice %arg6[%dma_start3A_132, %dma_start3A_133, %dma_start3A_134] : memref<2x128x256xf32, #tpu.memory_space<vmem>> -> memref<1x128x256xf32, #tpu.memory_space<vmem>>
    %dma_start3A_136 = tpu.memref_squeeze %dma_start3A_135 : memref<1x128x256xf32, #tpu.memory_space<vmem>> -> memref<128x256xf32, #tpu.memory_space<vmem>>
    %dma_start3A_137 = arith.constant 384 : i32
    %dma_start3A_138 = tpu.memref_slice %arg5[%dma_start3A_137] : memref<512xi32, #tpu.memory_space<vmem>> -> memref<128xi32, #tpu.memory_space<vmem>>
    %dma_start3A_139 = arith.constant 0 : i32
    %dma_start3A_140 = arith.constant 0 : i32
    %dma_start3A_141 = tpu.memref_slice %arg2[%dma_start3A_139, %dma_start3A_140] : memref<4096x256xf32, #tpu.memory_space<hbm>> -> memref<4096x256xf32, #tpu.memory_space<hbm>>
    tpu.enqueue_indirect_dma source(%dma_start3A_141 : memref<4096x256xf32, #tpu.memory_space<hbm>>) target(%dma_start3A_136 : memref<128x256xf32, #tpu.memory_space<vmem>>) offsets(%dma_start3A_138 : memref<128xi32, #tpu.memory_space<vmem>>) semaphore(%arg8 : memref<!tpu.dma_semaphore, #tpu.memory_space<semaphore_mem>>)
    %dma_wait3A_142 = arith.constant 1 : i32
    %dma_wait3A_143 = arith.constant 0 : i32
    %dma_wait3A_144 = arith.constant 0 : i32
    %dma_wait3A_145 = tpu.memref_slice %arg6[%dma_wait3A_142, %dma_wait3A_143, %dma_wait3A_144] : memref<2x128x256xf32, #tpu.memory_space<vmem>> -> memref<1x128x256xf32, #tpu.memory_space<vmem>>
    %dma_wait3A_146 = tpu.memref_squeeze %dma_wait3A_145 : memref<1x128x256xf32, #tpu.memory_space<vmem>> -> memref<128x256xf32, #tpu.memory_space<vmem>>
    %dma_wait3A_147 = arith.constant 384 : i32
    %dma_wait3A_148 = tpu.memref_slice %arg5[%dma_wait3A_147] : memref<512xi32, #tpu.memory_space<vmem>> -> memref<128xi32, #tpu.memory_space<vmem>>
    %dma_wait3A_149 = arith.constant 0 : i32
    %dma_wait3A_150 = arith.constant 0 : i32
    %dma_wait3A_151 = tpu.memref_slice %arg2[%dma_wait3A_149, %dma_wait3A_150] : memref<4096x256xf32, #tpu.memory_space<hbm>> -> memref<4096x256xf32, #tpu.memory_space<hbm>>
    tpu.wait_indirect_dma semaphore(%arg8 : memref<!tpu.dma_semaphore, #tpu.memory_space<semaphore_mem>>) src(%dma_wait3A_151 : memref<4096x256xf32, #tpu.memory_space<hbm>>) dst(%dma_wait3A_146 : memref<128x256xf32, #tpu.memory_space<vmem>>)
    %add3A_152 = arith.constant 384 : i32
    %add3A_153 = arith.addi %mul3A_2, %add3A_152 : i32
    %dma_start3A_154 = arith.constant 1 : i32
    %dma_start3A_155 = arith.constant 0 : i32
    %dma_start3A_156 = arith.constant 0 : i32
    %dma_start3A_157 = tpu.memref_slice %arg6[%dma_start3A_154, %dma_start3A_155, %dma_start3A_156] : memref<2x128x256xf32, #tpu.memory_space<vmem>> -> memref<1x128x256xf32, #tpu.memory_space<vmem>>
    %dma_start3A_158 = tpu.memref_squeeze %dma_start3A_157 : memref<1x128x256xf32, #tpu.memory_space<vmem>> -> memref<128x256xf32, #tpu.memory_space<vmem>>
    %dma_start3A_159 = arith.constant 0 : i32
    %dma_start3A_160 = tpu.memref_slice %arg4[%add3A_153, %dma_start3A_159] : memref<16384x256xf32, #tpu.memory_space<hbm>> -> memref<128x256xf32, #tpu.memory_space<hbm>>
    %dma_start3A_161 = arith.constant 0 : i32
    %dma_start3A_162 = tpu.memref_slice %arg4[%add3A_153, %dma_start3A_161] : memref<16384x256xf32, #tpu.memory_space<hbm>> -> memref<128x256xf32, #tpu.memory_space<hbm>>
    %dma_start3A_163 = arith.constant 0 : i32
    %dma_start3A_164 = arith.constant 0 : i32
    %dma_start3A_165 = tpu.memref_slice %arg6[%dma_start3A_154, %dma_start3A_163, %dma_start3A_164] : memref<2x128x256xf32, #tpu.memory_space<vmem>> -> memref<1x128x256xf32, #tpu.memory_space<vmem>>
    %dma_start3A_166 = tpu.memref_squeeze %dma_start3A_165 : memref<1x128x256xf32, #tpu.memory_space<vmem>> -> memref<128x256xf32, #tpu.memory_space<vmem>>
    tpu.enqueue_dma source(%dma_start3A_166 : memref<128x256xf32, #tpu.memory_space<vmem>>) target(%dma_start3A_162 : memref<128x256xf32, #tpu.memory_space<hbm>>) target_semaphore(%arg10 : memref<!tpu.dma_semaphore, #tpu.memory_space<semaphore_mem>>)
    %dma_wait3A_167 = arith.constant 0 : i32
    %dma_wait3A_168 = arith.constant 0 : i32
    %dma_wait3A_169 = arith.constant 0 : i32
    %dma_wait3A_170 = tpu.memref_slice %arg6[%dma_wait3A_167, %dma_wait3A_168, %dma_wait3A_169] : memref<2x128x256xf32, #tpu.memory_space<vmem>> -> memref<1x128x256xf32, #tpu.memory_space<vmem>>
    %dma_wait3A_171 = tpu.memref_squeeze %dma_wait3A_170 : memref<1x128x256xf32, #tpu.memory_space<vmem>> -> memref<128x256xf32, #tpu.memory_space<vmem>>
    %dma_wait3A_172 = arith.constant 0 : i32
    %dma_wait3A_173 = tpu.memref_slice %arg4[%add3A_105, %dma_wait3A_172] : memref<16384x256xf32, #tpu.memory_space<hbm>> -> memref<128x256xf32, #tpu.memory_space<hbm>>
    %dma_wait3A_174 = arith.constant 0 : i32
    %dma_wait3A_175 = tpu.memref_slice %arg4[%add3A_105, %dma_wait3A_174] : memref<16384x256xf32, #tpu.memory_space<hbm>> -> memref<128x256xf32, #tpu.memory_space<hbm>>
    %dma_wait3A_176 = arith.constant 0 : i32
    %dma_wait3A_177 = arith.constant 0 : i32
    %dma_wait3A_178 = tpu.memref_slice %arg6[%dma_wait3A_167, %dma_wait3A_176, %dma_wait3A_177] : memref<2x128x256xf32, #tpu.memory_space<vmem>> -> memref<1x128x256xf32, #tpu.memory_space<vmem>>
    %dma_wait3A_179 = tpu.memref_squeeze %dma_wait3A_178 : memref<1x128x256xf32, #tpu.memory_space<vmem>> -> memref<128x256xf32, #tpu.memory_space<vmem>>
    tpu.wait_dma2 semaphore(%arg9 : memref<!tpu.dma_semaphore, #tpu.memory_space<semaphore_mem>>) src(%dma_wait3A_179 : memref<128x256xf32, #tpu.memory_space<vmem>>) dst(%dma_wait3A_175 : memref<128x256xf32, #tpu.memory_space<hbm>>)
    %dma_wait3A_180 = arith.constant 1 : i32
    %dma_wait3A_181 = arith.constant 0 : i32
    %dma_wait3A_182 = arith.constant 0 : i32
    %dma_wait3A_183 = tpu.memref_slice %arg6[%dma_wait3A_180, %dma_wait3A_181, %dma_wait3A_182] : memref<2x128x256xf32, #tpu.memory_space<vmem>> -> memref<1x128x256xf32, #tpu.memory_space<vmem>>
    %dma_wait3A_184 = tpu.memref_squeeze %dma_wait3A_183 : memref<1x128x256xf32, #tpu.memory_space<vmem>> -> memref<128x256xf32, #tpu.memory_space<vmem>>
    %dma_wait3A_185 = arith.constant 0 : i32
    %dma_wait3A_186 = tpu.memref_slice %arg4[%add3A_153, %dma_wait3A_185] : memref<16384x256xf32, #tpu.memory_space<hbm>> -> memref<128x256xf32, #tpu.memory_space<hbm>>
    %dma_wait3A_187 = arith.constant 0 : i32
    %dma_wait3A_188 = tpu.memref_slice %arg4[%add3A_153, %dma_wait3A_187] : memref<16384x256xf32, #tpu.memory_space<hbm>> -> memref<128x256xf32, #tpu.memory_space<hbm>>
    %dma_wait3A_189 = arith.constant 0 : i32
    %dma_wait3A_190 = arith.constant 0 : i32
    %dma_wait3A_191 = tpu.memref_slice %arg6[%dma_wait3A_180, %dma_wait3A_189, %dma_wait3A_190] : memref<2x128x256xf32, #tpu.memory_space<vmem>> -> memref<1x128x256xf32, #tpu.memory_space<vmem>>
    %dma_wait3A_192 = tpu.memref_squeeze %dma_wait3A_191 : memref<1x128x256xf32, #tpu.memory_space<vmem>> -> memref<128x256xf32, #tpu.memory_space<vmem>>
    tpu.wait_dma2 semaphore(%arg10 : memref<!tpu.dma_semaphore, #tpu.memory_space<semaphore_mem>>) src(%dma_wait3A_192 : memref<128x256xf32, #tpu.memory_space<vmem>>) dst(%dma_wait3A_188 : memref<128x256xf32, #tpu.memory_space<hbm>>)
    return
  }
}

module attributes {stable_mosaic.version = 14 : i64} {
  func.func @_prep_body(%arg0: memref<4096x256xf32, #tpu.memory_space<vmem>>, %arg1: memref<256x4096xbf16, #tpu.memory_space<vmem>>, %arg2: memref<1x4096xf32, #tpu.memory_space<vmem>>, %arg3: memref<4096x8xf32, #tpu.memory_space<vmem>>) attributes {dimension_semantics = [], scalar_prefetch = 0 : i64, scratch_operands = 0 : i64, tpu.core_type = #tpu.core_type<tc>} {
    %get3A = arith.constant 0 : index
    %get3A_0 = arith.constant 0 : index
    %get3A_1 = vector.load %arg0[%get3A, %get3A_0] : memref<4096x256xf32, #tpu.memory_space<vmem>>, vector<4096x256xf32>
    %mul3A = arith.constant -2.000000e+00 : f32
    %mul3A_2 = vector.broadcast %mul3A : f32 to vector<4096x256xf32>
    %mul3A_3 = arith.mulf %mul3A_2, %get3A_1 : vector<4096x256xf32>
    %convert_element_type3A = arith.truncf %mul3A_3 : vector<4096x256xf32> to vector<4096x256xbf16>
    %transpose3A = tpu.transpose %convert_element_type3A, [1, 0] : vector<4096x256xbf16> -> vector<256x4096xbf16>
    %swap3A = arith.constant 0 : index
    %swap3A_4 = arith.constant 0 : index
    %swap3A_5 = vector.load %arg1[%swap3A, %swap3A_4] : memref<256x4096xbf16, #tpu.memory_space<vmem>>, vector<256x4096xbf16>
    tpu.vector_store %arg1[%swap3A, %swap3A_4], %transpose3A {strides = array<i32>} : memref<256x4096xbf16, #tpu.memory_space<vmem>>, vector<256x4096xbf16>,
    %mul3A_6 = arith.mulf %get3A_1, %get3A_1 : vector<4096x256xf32>
    %reduce_sum3A = arith.constant dense<0.000000e+00> : vector<4096xf32>
    %reduce_sum3A_7 = vector.multi_reduction <add>, %mul3A_6, %reduce_sum3A [1] : vector<4096x256xf32> to vector<4096xf32>
    %broadcast_in_dim3A = vector.shape_cast %reduce_sum3A_7 : vector<4096xf32> to vector<4096x1xf32>
    %transpose3A_8 = tpu.transpose %broadcast_in_dim3A, [1, 0] : vector<4096x1xf32> -> vector<1x4096xf32>
    %swap3A_9 = arith.constant 0 : index
    %swap3A_10 = arith.constant 0 : index
    %swap3A_11 = vector.load %arg2[%swap3A_9, %swap3A_10] : memref<1x4096xf32, #tpu.memory_space<vmem>>, vector<1x4096xf32>
    tpu.vector_store %arg2[%swap3A_9, %swap3A_10], %transpose3A_8 {strides = array<i32>} : memref<1x4096xf32, #tpu.memory_space<vmem>>, vector<1x4096xf32>,
    %iota3A = tpu.iota {dimensions = array<i32: 0>} : vector<4096x8xi32>
    %iota3A_12 = tpu.iota {dimensions = array<i32: 1>} : vector<4096x8xi32>
    %jit3A = arith.constant 16 : i32
    %div3A = vector.broadcast %jit3A : i32 to vector<4096x8xi32>
    %div3A_13 = arith.divsi %iota3A, %div3A : vector<4096x8xi32>
    %sign3A = arith.constant 0 : i32
    %sign3A_14 = vector.broadcast %sign3A : i32 to vector<4096x8xi32>
    %sign3A_15 = arith.cmpi sgt, %iota3A, %sign3A_14 : vector<4096x8xi32>
    %sign3A_16 = arith.extui %sign3A_15 : vector<4096x8xi1> to vector<4096x8xi32>
    %sign3A_17 = arith.constant 0 : i32
    %sign3A_18 = vector.broadcast %sign3A_17 : i32 to vector<4096x8xi32>
    %sign3A_19 = arith.cmpi slt, %iota3A, %sign3A_18 : vector<4096x8xi32>
    %sign3A_20 = arith.extui %sign3A_19 : vector<4096x8xi1> to vector<4096x8xi32>
    %sign3A_21 = arith.subi %sign3A_16, %sign3A_20 : vector<4096x8xi32>
    %sign3A_22 = arith.constant 0 : i32
    %sign3A_23 = arith.cmpi sgt, %jit3A, %sign3A_22 : i32
    %sign3A_24 = arith.extui %sign3A_23 : i1 to i32
    %sign3A_25 = arith.constant 0 : i32
    %sign3A_26 = arith.cmpi slt, %jit3A, %sign3A_25 : i32
    %sign3A_27 = arith.extui %sign3A_26 : i1 to i32
    %sign3A_28 = arith.subi %sign3A_24, %sign3A_27 : i32
    %ne3A = vector.broadcast %sign3A_28 : i32 to vector<4096x8xi32>
    %ne3A_29 = arith.cmpi ne, %sign3A_21, %ne3A : vector<4096x8xi32>
    %rem3A = vector.broadcast %jit3A : i32 to vector<4096x8xi32>
    %rem3A_30 = arith.remsi %iota3A, %rem3A : vector<4096x8xi32>
    %ne3A_31 = arith.constant 0 : i32
    %ne3A_32 = vector.broadcast %ne3A_31 : i32 to vector<4096x8xi32>
    %ne3A_33 = arith.cmpi ne, %rem3A_30, %ne3A_32 : vector<4096x8xi32>
    %and3A = arith.andi %ne3A_29, %ne3A_33 : vector<4096x8xi1>
    %sub3A = arith.constant 1 : i32
    %sub3A_34 = vector.broadcast %sub3A : i32 to vector<4096x8xi32>
    %sub3A_35 = arith.subi %div3A_13, %sub3A_34 : vector<4096x8xi32>
    %select_n3A = arith.select %and3A, %sub3A_35, %div3A_13 : vector<4096x8xi1>, vector<4096x8xi32>
    %convert_element_type3A_36 = arith.sitofp %select_n3A : vector<4096x8xi32> to vector<4096x8xf32>
    %jit3A_37 = arith.constant 16 : i32
    %eq3A = arith.constant 0 : i32
    %eq3A_38 = arith.cmpi eq, %jit3A_37, %eq3A : i32
    %jit3A_39 = arith.constant 1 : i32
    %select_n3A_40 = arith.select %eq3A_38, %jit3A_39, %jit3A_37 : i32
    %rem3A_41 = vector.broadcast %select_n3A_40 : i32 to vector<4096x8xi32>
    %rem3A_42 = arith.remsi %iota3A, %rem3A_41 : vector<4096x8xi32>
    %ne3A_43 = arith.constant 0 : i32
    %ne3A_44 = vector.broadcast %ne3A_43 : i32 to vector<4096x8xi32>
    %ne3A_45 = arith.cmpi ne, %rem3A_42, %ne3A_44 : vector<4096x8xi32>
    %lt3A = arith.constant 0 : i32
    %lt3A_46 = vector.broadcast %lt3A : i32 to vector<4096x8xi32>
    %lt3A_47 = arith.cmpi slt, %rem3A_42, %lt3A_46 : vector<4096x8xi32>
    %lt3A_48 = arith.constant 0 : i32
    %lt3A_49 = arith.cmpi slt, %select_n3A_40, %lt3A_48 : i32
    %ne3A_50 = vector.broadcast %lt3A_49 : i1 to vector<4096x8xi1>
    %ne3A_51 = vector.broadcast %ne3A_50 : vector<4096x8xi1> to vector<4096x8xi1>
    %ne3A_52 = arith.xori %lt3A_47, %ne3A_51 : vector<4096x8xi1>
    %and3A_53 = arith.andi %ne3A_52, %ne3A_45 : vector<4096x8xi1>
    %add3A = vector.broadcast %select_n3A_40 : i32 to vector<4096x8xi32>
    %add3A_54 = arith.addi %rem3A_42, %add3A : vector<4096x8xi32>
    %select_n3A_55 = arith.select %and3A_53, %add3A_54, %rem3A_42 : vector<4096x8xi1>, vector<4096x8xi32>
    %convert_element_type3A_56 = arith.sitofp %select_n3A_55 : vector<4096x8xi32> to vector<4096x8xf32>
    %eq3A_57 = arith.constant 0 : i32
    %eq3A_58 = vector.broadcast %eq3A_57 : i32 to vector<4096x8xi32>
    %eq3A_59 = arith.cmpi eq, %iota3A_12, %eq3A_58 : vector<4096x8xi32>
    %eq3A_60 = arith.constant 1 : i32
    %eq3A_61 = vector.broadcast %eq3A_60 : i32 to vector<4096x8xi32>
    %eq3A_62 = arith.cmpi eq, %iota3A_12, %eq3A_61 : vector<4096x8xi32>
    %eq3A_63 = arith.constant 2 : i32
    %eq3A_64 = vector.broadcast %eq3A_63 : i32 to vector<4096x8xi32>
    %eq3A_65 = arith.cmpi eq, %iota3A_12, %eq3A_64 : vector<4096x8xi32>
    %jit3A_66 = arith.constant 1.000000e+00 : f32
    %jit3A_67 = arith.constant 0.000000e+00 : f32
    %broadcast_in_dim3A_68 = vector.broadcast %jit3A_66 : f32 to vector<4096x8xf32>
    %broadcast_in_dim3A_69 = vector.broadcast %jit3A_67 : f32 to vector<4096x8xf32>
    %select_n3A_70 = arith.select %eq3A_65, %broadcast_in_dim3A_68, %broadcast_in_dim3A_69 : vector<4096x8xi1>, vector<4096x8xf32>
    %select_n3A_71 = arith.select %eq3A_62, %convert_element_type3A_56, %select_n3A_70 : vector<4096x8xi1>, vector<4096x8xf32>
    %select_n3A_72 = arith.select %eq3A_59, %convert_element_type3A_36, %select_n3A_71 : vector<4096x8xi1>, vector<4096x8xf32>
    %swap3A_73 = arith.constant 0 : index
    %swap3A_74 = arith.constant 0 : index
    %swap3A_75 = vector.load %arg3[%swap3A_73, %swap3A_74] : memref<4096x8xf32, #tpu.memory_space<vmem>>, vector<4096x8xf32>
    tpu.vector_store %arg3[%swap3A_73, %swap3A_74], %select_n3A_72 {strides = array<i32>} : memref<4096x8xf32, #tpu.memory_space<vmem>>, vector<4096x8xf32>,
    return
  }
}

module attributes {stable_mosaic.version = 14 : i64} {
  func.func @_vq_body(%arg0: i32, %arg1: memref<1024x256xf32, #tpu.memory_space<vmem>>, %arg2: memref<256x4096xbf16, #tpu.memory_space<vmem>>, %arg3: memref<1x4096xf32, #tpu.memory_space<vmem>>, %arg4: memref<4096x8xf32, #tpu.memory_space<vmem>>, %arg5: memref<1x1x1024xi32, #tpu.memory_space<vmem>>, %arg6: memref<1024x1xf32, #tpu.memory_space<vmem>>) attributes {dimension_semantics = [#tpu.dimension_semantics<arbitrary>], iteration_bounds = array<i64: 16>, scalar_prefetch = 0 : i64, scratch_operands = 0 : i64, tpu.core_type = #tpu.core_type<tc>, window_params = [{transform_indices = @transform_0, window_bounds = array<i64: 1024, 256>}, {pipeline_mode = #tpu.pipeline_mode<synchronous>, transform_indices = @transform_1, window_bounds = array<i64: 256, 4096>}, {pipeline_mode = #tpu.pipeline_mode<synchronous>, transform_indices = @transform_2, window_bounds = array<i64: 1, 4096>}, {pipeline_mode = #tpu.pipeline_mode<synchronous>, transform_indices = @transform_3, window_bounds = array<i64: 4096, 8>}, {transform_indices = @transform_4, window_bounds = array<i64: 1, 1, 1024>}, {pipeline_mode = #tpu.pipeline_mode<synchronous>, transform_indices = @transform_5, window_bounds = array<i64: 1024, 1>}]} {
    %get3A = arith.constant 0 : index
    %get3A_0 = arith.constant 0 : index
    %get3A_1 = vector.load %arg1[%get3A, %get3A_0] : memref<1024x256xf32, #tpu.memory_space<vmem>>, vector<1024x256xf32>
    %convert_element_type3A = arith.truncf %get3A_1 : vector<1024x256xf32> to vector<1024x256xbf16>
    %get3A_2 = arith.constant 0 : index
    %get3A_3 = arith.constant 0 : index
    %get3A_4 = vector.load %arg2[%get3A_2, %get3A_3] : memref<256x4096xbf16, #tpu.memory_space<vmem>>, vector<256x4096xbf16>
    %dot_general3A = arith.constant dense<0.000000e+00> : vector<1024x4096xf32>
    %dot_general3A_5 = tpu.matmul %convert_element_type3A, %get3A_4, %dot_general3A {dimension_numbers = #tpu.dot_dimension_numbers<[1], [0], [0], [1], [0, 0, 1, 1], [], []>, transpose_lhs_hint = false} : vector<1024x256xbf16>, vector<256x4096xbf16>, vector<1024x4096xf32> -> vector<1024x4096xf32>
    %mul3A = arith.mulf %get3A_1, %get3A_1 : vector<1024x256xf32>
    %reduce_sum3A = arith.constant dense<0.000000e+00> : vector<1024xf32>
    %reduce_sum3A_6 = vector.multi_reduction <add>, %mul3A, %reduce_sum3A [1] : vector<1024x256xf32> to vector<1024xf32>
    %broadcast_in_dim3A = vector.shape_cast %reduce_sum3A_6 : vector<1024xf32> to vector<1024x1xf32>
    %add3A = vector.broadcast %broadcast_in_dim3A : vector<1024x1xf32> to vector<1024x4096xf32>
    %add3A_7 = arith.addf %add3A, %dot_general3A_5 : vector<1024x4096xf32>
    %get3A_8 = arith.constant 0 : index
    %get3A_9 = arith.constant 0 : index
    %get3A_10 = vector.load %arg3[%get3A_8, %get3A_9] : memref<1x4096xf32, #tpu.memory_space<vmem>>, vector<1x4096xf32>
    %add3A_11 = vector.broadcast %get3A_10 : vector<1x4096xf32> to vector<1024x4096xf32>
    %add3A_12 = arith.addf %add3A_7, %add3A_11 : vector<1024x4096xf32>
    %reduce_min3A = arith.constant dense<0x7F800000> : vector<1024xf32>
    %reduce_min3A_13 = vector.multi_reduction <minimumf>, %add3A_12, %reduce_min3A [1] : vector<1024x4096xf32> to vector<1024xf32>
    %broadcast_in_dim3A_14 = vector.shape_cast %reduce_min3A_13 : vector<1024xf32> to vector<1024x1xf32>
    %eq3A = vector.broadcast %broadcast_in_dim3A_14 : vector<1024x1xf32> to vector<1024x4096xf32>
    %eq3A_15 = arith.cmpf oeq, %add3A_12, %eq3A : vector<1024x4096xf32>
    %jit3A = arith.constant 1.000000e+00 : f32
    %jit3A_16 = arith.constant 0.000000e+00 : f32
    %broadcast_in_dim3A_17 = vector.broadcast %jit3A : f32 to vector<1024x4096xf32>
    %broadcast_in_dim3A_18 = vector.broadcast %jit3A_16 : f32 to vector<1024x4096xf32>
    %select_n3A = arith.select %eq3A_15, %broadcast_in_dim3A_17, %broadcast_in_dim3A_18 : vector<1024x4096xi1>, vector<1024x4096xf32>
    %get3A_19 = arith.constant 0 : index
    %get3A_20 = arith.constant 0 : index
    %get3A_21 = vector.load %arg4[%get3A_19, %get3A_20] : memref<4096x8xf32, #tpu.memory_space<vmem>>, vector<4096x8xf32>
    %dot_general3A_22 = arith.constant dense<0.000000e+00> : vector<1024x8xf32>
    %dot_general3A_23 = tpu.matmul %select_n3A, %get3A_21, %dot_general3A_22 {dimension_numbers = #tpu.dot_dimension_numbers<[1], [0], [0], [1], [0, 0, 1, 1], [], []>, transpose_lhs_hint = false} : vector<1024x4096xf32>, vector<4096x8xf32>, vector<1024x8xf32> -> vector<1024x8xf32>
    %slice3A = vector.extract_strided_slice %dot_general3A_23 {offsets = [0, 2], sizes = [1024, 1], strides = [1, 1]} : vector<1024x8xf32> to vector<1024x1xf32>
    %reduce_max3A = vector.shape_cast %slice3A : vector<1024x1xf32> to vector<1x1024x1xf32>
    %reduce_max3A_24 = arith.constant dense<0xFF800000> : vector<1xf32>
    %reduce_max3A_25 = vector.multi_reduction <maximumf>, %reduce_max3A, %reduce_max3A_24 [1, 2] : vector<1x1024x1xf32> to vector<1xf32>
    %reduce_max3A_26 = vector.shape_cast %reduce_max3A_25 : vector<1xf32> to vector<1x1x1xf32>
    %reduce_max3A_27 = vector.extract %reduce_max3A_26[0, 0, 0] : f32 from vector<1x1x1xf32>
    %lt3A = arith.constant 1.500000e+00 : f32
    %lt3A_28 = arith.cmpf olt, %reduce_max3A_27, %lt3A : f32
    %convert_element_type3A_29 = arith.extui %lt3A_28 : i1 to i32
    %cond3A = arith.constant 0 : i32
    %cond3A_30 = arith.cmpi ne, %convert_element_type3A_29, %cond3A : i32
    scf.if %cond3A_30 {
      %slice3A_51 = vector.extract_strided_slice %dot_general3A_23 {offsets = [0, 0], sizes = [1024, 1], strides = [1, 1]} : vector<1024x8xf32> to vector<1024x1xf32>
      %mul3A_52 = arith.constant 1.600000e+01 : f32
      %mul3A_53 = vector.broadcast %mul3A_52 : f32 to vector<1024x1xf32>
      %mul3A_54 = arith.mulf %slice3A_51, %mul3A_53 : vector<1024x1xf32>
      %slice3A_55 = vector.extract_strided_slice %dot_general3A_23 {offsets = [0, 1], sizes = [1024, 1], strides = [1, 1]} : vector<1024x8xf32> to vector<1024x1xf32>
      %add3A_56 = arith.addf %mul3A_54, %slice3A_55 : vector<1024x1xf32>
      %convert_element_type3A_57 = arith.fptosi %add3A_56 : vector<1024x1xf32> to vector<1024x1xi32>
      %transpose3A = tpu.transpose %convert_element_type3A_57, [1, 0] : vector<1024x1xi32> -> vector<1x1024xi32>
      %swap3A_58 = arith.constant 0 : index
      %swap3A_59 = arith.constant 0 : index
      %swap3A_60 = arith.constant 0 : index
      %swap3A_61 = vector.load %arg5[%swap3A_58, %swap3A_59, %swap3A_60] : memref<1x1x1024xi32, #tpu.memory_space<vmem>>, vector<1x1x1024xi32>
      %swap3A_62 = vector.shape_cast %swap3A_61 : vector<1x1x1024xi32> to vector<1x1024xi32>
      %swap3A_63 = vector.shape_cast %transpose3A : vector<1x1024xi32> to vector<1x1x1024xi32>
      tpu.vector_store %arg5[%swap3A_58, %swap3A_59, %swap3A_60], %swap3A_63 {strides = array<i32>} : memref<1x1x1024xi32, #tpu.memory_space<vmem>>, vector<1x1x1024xi32>,
    } else {
    }
    %reduce_max3A_31 = vector.shape_cast %slice3A : vector<1024x1xf32> to vector<1x1024x1xf32>
    %reduce_max3A_32 = arith.constant dense<0xFF800000> : vector<1xf32>
    %reduce_max3A_33 = vector.multi_reduction <maximumf>, %reduce_max3A_31, %reduce_max3A_32 [1, 2] : vector<1x1024x1xf32> to vector<1xf32>
    %reduce_max3A_34 = vector.shape_cast %reduce_max3A_33 : vector<1xf32> to vector<1x1x1xf32>
    %reduce_max3A_35 = vector.extract %reduce_max3A_34[0, 0, 0] : f32 from vector<1x1x1xf32>
    %ge3A = arith.constant 1.500000e+00 : f32
    %ge3A_36 = arith.cmpf oge, %reduce_max3A_35, %ge3A : f32
    %convert_element_type3A_37 = arith.extui %ge3A_36 : i1 to i32
    %cond3A_38 = arith.constant 0 : i32
    %cond3A_39 = arith.cmpi ne, %convert_element_type3A_37, %cond3A_38 : i32
    scf.if %cond3A_39 {
      %iota3A = tpu.iota {dimensions = array<i32: 1>} : vector<1024x4096xi32>
      %eq3A_51 = vector.broadcast %broadcast_in_dim3A_14 : vector<1024x1xf32> to vector<1024x4096xf32>
      %eq3A_52 = arith.cmpf oeq, %add3A_12, %eq3A_51 : vector<1024x4096xf32>
      %jit3A_53 = arith.constant 4096 : i32
      %broadcast_in_dim3A_54 = vector.broadcast %jit3A_53 : i32 to vector<1024x4096xi32>
      %select_n3A_55 = arith.select %eq3A_52, %iota3A, %broadcast_in_dim3A_54 : vector<1024x4096xi1>, vector<1024x4096xi32>
      %reduce_min3A_56 = arith.constant dense<2147483647> : vector<1024xi32>
      %reduce_min3A_57 = vector.multi_reduction <minsi>, %select_n3A_55, %reduce_min3A_56 [1] : vector<1024x4096xi32> to vector<1024xi32>
      %broadcast_in_dim3A_58 = vector.shape_cast %reduce_min3A_57 : vector<1024xi32> to vector<1024x1xi32>
      %transpose3A = tpu.transpose %broadcast_in_dim3A_58, [1, 0] : vector<1024x1xi32> -> vector<1x1024xi32>
      %swap3A_59 = arith.constant 0 : index
      %swap3A_60 = arith.constant 0 : index
      %swap3A_61 = arith.constant 0 : index
      %swap3A_62 = vector.load %arg5[%swap3A_59, %swap3A_60, %swap3A_61] : memref<1x1x1024xi32, #tpu.memory_space<vmem>>, vector<1x1x1024xi32>
      %swap3A_63 = vector.shape_cast %swap3A_62 : vector<1x1x1024xi32> to vector<1x1024xi32>
      %swap3A_64 = vector.shape_cast %transpose3A : vector<1x1024xi32> to vector<1x1x1024xi32>
      tpu.vector_store %arg5[%swap3A_59, %swap3A_60, %swap3A_61], %swap3A_64 {strides = array<i32>} : memref<1x1x1024xi32, #tpu.memory_space<vmem>>, vector<1x1x1024xi32>,
    } else {
    }
    %eq3A_40 = arith.constant 0 : i32
    %eq3A_41 = arith.cmpi eq, %arg0, %eq3A_40 : i32
    %convert_element_type3A_42 = arith.extui %eq3A_41 : i1 to i32
    %cond3A_43 = arith.constant 0 : i32
    %cond3A_44 = arith.cmpi ne, %convert_element_type3A_42, %cond3A_43 : i32
    scf.if %cond3A_44 {
      %broadcast_in_dim3A_51 = arith.constant 0.000000e+00 : f32
      %broadcast_in_dim3A_52 = vector.broadcast %broadcast_in_dim3A_51 : f32 to vector<1024x1xf32>
      %swap3A_53 = arith.constant 0 : index
      %swap3A_54 = arith.constant 0 : index
      %swap3A_55 = vector.load %arg6[%swap3A_53, %swap3A_54] : memref<1024x1xf32, #tpu.memory_space<vmem>>, vector<1024x1xf32>
      tpu.vector_store %arg6[%swap3A_53, %swap3A_54], %broadcast_in_dim3A_52 {strides = array<i32>} : memref<1024x1xf32, #tpu.memory_space<vmem>>, vector<1024x1xf32>,
    } else {
    }
    %get3A_45 = arith.constant 0 : index
    %get3A_46 = arith.constant 0 : index
    %get3A_47 = vector.load %arg6[%get3A_45, %get3A_46] : memref<1024x1xf32, #tpu.memory_space<vmem>>, vector<1024x1xf32>
    %add3A_48 = arith.addf %get3A_47, %broadcast_in_dim3A_14 : vector<1024x1xf32>
    %swap3A = arith.constant 0 : index
    %swap3A_49 = arith.constant 0 : index
    %swap3A_50 = vector.load %arg6[%swap3A, %swap3A_49] : memref<1024x1xf32, #tpu.memory_space<vmem>>, vector<1024x1xf32>
    tpu.vector_store %arg6[%swap3A, %swap3A_49], %add3A_48 {strides = array<i32>} : memref<1024x1xf32, #tpu.memory_space<vmem>>, vector<1024x1xf32>,
    return
  }
  func.func @transform_0(%arg0: i32) -> (i32, i32) {
    %c0_i32 = arith.constant 0 : i32
    %c0_i32_0 = arith.constant 0 : i32
    return %arg0, %c0_i32 : i32, i32
  }
  func.func @transform_1(%arg0: i32) -> (i32, i32) {
    %c0_i32 = arith.constant 0 : i32
    %c0_i32_0 = arith.constant 0 : i32
    %c0_i32_1 = arith.constant 0 : i32
    return %c0_i32, %c0_i32_0 : i32, i32
  }
  func.func @transform_2(%arg0: i32) -> (i32, i32) {
    %c0_i32 = arith.constant 0 : i32
    %c0_i32_0 = arith.constant 0 : i32
    %c0_i32_1 = arith.constant 0 : i32
    return %c0_i32, %c0_i32_0 : i32, i32
  }
  func.func @transform_3(%arg0: i32) -> (i32, i32) {
    %c0_i32 = arith.constant 0 : i32
    %c0_i32_0 = arith.constant 0 : i32
    %c0_i32_1 = arith.constant 0 : i32
    return %c0_i32, %c0_i32_0 : i32, i32
  }
  func.func @transform_4(%arg0: i32) -> (i32, i32, i32) {
    %c0_i32 = arith.constant 0 : i32
    %c0_i32_0 = arith.constant 0 : i32
    %c0_i32_1 = arith.constant 0 : i32
    return %arg0, %c0_i32, %c0_i32_0 : i32, i32, i32
  }
  func.func @transform_5(%arg0: i32) -> (i32, i32) {
    %c0_i32 = arith.constant 0 : i32
    %c0_i32_0 = arith.constant 0 : i32
    %c0_i32_1 = arith.constant 0 : i32
    return %c0_i32, %c0_i32_0 : i32, i32
  }
}

</mosaic_0001>

<sc_bundles>
// kernel: kernel.5.cloned.1.call-start
scs
__scs_entry_jumppad:
0x0: {  	(pc) =	sbr.rel $0x88, $3  }
0x1: {  	(tag) =	ssettag $0x0;
	lr =	simm.s32 $0x1  }
0x2: {  	[smem:$0x3F9F] =	sst lr;
	_ =	strace $0xD0000000  }
0x3: {  	_ = 	snop  }
0x4: {  	_ = 	snop  }
0x5: {  	_ = 	snop  }
0x6: {  	_ = 	snop  }
0x7: {  	_ = 	snop  }
__scs_overlays_trampoline_lowered:
0x8: {  	[smem:$0x3FAE] =	sst s0  }
0x9: {  	[smem:$0x3FAF] =	sst s1  }
0xa: {  	[smem:$0x3FB0] =	sst s2  }
0xb: {  	[smem:$0x3FB1] =	sst s3  }
0xc: {  	[smem:$0x3FB2] =	sst s4  }
0xd: {  	[smem:$0x3FB3] =	sst s5  }
0xe: {  	[smem:$0x3FB4] =	sst s6  }
0xf: {  	[smem:$0x3FB5] =	sst s7  }
0x10: {  	[smem:$0x3FB6] =	sst s8  }
0x11: {  	[smem:$0x3FB7] =	sst s9;
	s0 =	simm.s32 @!p0 $0x0  }
0x12: {  	s1 =	sld [smem:$0x3F9D];
	s0 =	simm.s32 @p0 $0x1  }
0x13: {  	[smem:$0x3FB8] =	sst s0;
	s0 =	simm.s32 @!p1 $0x0  }
0x14: {  	s2 =	sld [smem:$0x3F9C];
	s0 =	simm.s32 @p1 $0x1  }
0x15: {  	[smem:$0x3FB9] =	sst s0;
	s0 =	simm.s32 @!p2 $0x0  }
0x16: {  	s3 =	sld [smem:$0x3FDB];
	s0 =	simm.s32 @p2 $0x1  }
0x17: {  	s4 =	simm.s32 $0x1BF5;
	[smem:$0x3FBB] =	sst s0  }
0x18: {  	s0 =	sld [smem:$0x3F9E];
	_ =	swait.ge [sflag:s4], $0x0  }
0x19: {  	s7 =	sld [smem:$0x3F9F]  }
0x1a: {  	s8 =	sadd.s32 $0xFFFFE003, lr  }
0x1b: {  	s9 =	sadd.s32 $0xFFFFFEF7, lr;
	s5 =	simm.s32 $0xFFFFFFFF;
	p2 =	slt.u32 s8, $0xFFFFF086  }
0x1c: {  	p1 =	slt.u32 s9, $0xF7A;
	s5 =	simm.s32 @!p2 $0x0  }
0x1d: {  	s5 =	simm.s32 @p1 $0x1;
	p0 =	seq.s32 s7, s2  }
0x1e: {  	s7 =	smul.u32 @!p0 $0xF7A, s2;
	p2 =	seq.s32 @!p0 s5, $0x0  }
0x1f: {  	s9 =	smul.u32 $0xF7A, s1;
	s8 =	simm.s32 @!p0 $0x1BF5;
	p2 =	por !p2, p0  }
0x20: {  	[sflag:s8] =	ssyncset.s32 @!p0 $0xFFFFF086;
	s6 =	sadd.s32 @!p0 s3, s7;
	s7 =	simm.s32 @!p0 $0x108  }
0x21: {  	s3 =	sadd.s32 s3, s9;
	s6 =	sadd.s32 @!p0 $0x88, s6;
	s7 =	simm.s32 @p2 $0x1082  }
0x22: {  	[simem:s7], [sflag:s8] =	dma.local @!p0 [hbm:s6], $0xF7A  }
0x23: {  	s9 =	sor.u32 $0xD0000000, s2;
	s6 =	simm.s32 $0x108;
	_ =	swait.ge @!p0 [sflag:s8], $0x0  }
0x24: {  	s3 =	sadd.s32 $0x88, s3;
	s6 =	simm.s32 @!p1 $0x1082;
	[sflag:s4] =	ssyncset.s32 $0xFFFFF086  }
0x25: {  	[simem:s6], [sflag:s4] =	dma.local [hbm:s3], $0xF7A  }
0x26: {  	[smem:$0x3F9F] =	sst s1;
	(tag) =	ssettag s2;
	_ =	strace s9  }
0x27: {  	s1 =	sld [smem:$0x3FAF]  }
0x28: {  	s2 =	sld [smem:$0x3FB0]  }
0x29: {  	s4 =	sld [smem:$0x3FB2]  }
0x2a: {  	p0 =	seq.s32 s5, $0x0;
	s5 =	sld [smem:$0x3FB3]  }
0x2b: {  	s6 =	sld [smem:$0x3FB4]  }
0x2c: {  	s7 =	sld [smem:$0x3FB5]  }
0x2d: {  	s3 =	simm.s32 $0x108;
	s8 =	sld [smem:$0x3FB6]  }
0x2e: {  	s3 =	simm.s32 @!p0 $0x1082;
	s9 =	sld [smem:$0x3FB7]  }
0x2f: {  	lr =	sadd.s32 s0, s3;
	s0 =	sld [smem:$0x3FAE]  }
0x30: {  	s3 =	sld [smem:$0x3FB1]  }
0x31: {  	[smem:$0x3FBA] =	sst s10  }
0x32: {  	s10 =	sld [smem:$0x3FB8];
	_ =	sdelay $0x3  }
0x33: {  	p0 =	seq.s32 s10, $0x1;
	s10 =	sld [smem:$0x3FBA];
	_ =	sdelay $0x3  }
0x34: {  	[smem:$0x3FBA] =	sst s10  }
0x35: {  	s10 =	sld [smem:$0x3FB9];
	_ =	sdelay $0x3  }
0x36: {  	p1 =	seq.s32 s10, $0x1;
	s10 =	sld [smem:$0x3FBA];
	_ =	sdelay $0x3  }
0x37: {  	[smem:$0x3FBA] =	sst s10  }
0x38: {  	s10 =	sld [smem:$0x3FBB]  }
0x39: {  	_ = 	snop;
	(pc) =	sbr.ind lr, $3  }
0x3a: {  	_ = 	snop  }
0x3b: {  	_ = 	snop  }
0x3c: {  	p2 =	seq.s32 s10, $0x1;
	s10 =	sld [smem:$0x3FBA]  }
0x3d: {  	_ =	shalt  }
0x3e: {  	_ =	shalt  }
0x3f: {  	_ =	shalt  }
0x40: {  	_ =	shalt  }
0x41: {  	_ =	shalt  }
0x42: {  	_ =	shalt  }
0x43: {  	_ =	shalt  }
0x44: {  	_ =	shalt  }
0x45: {  	_ =	shalt  }
0x46: {  	_ =	shalt  }
0x47: {  	_ =	shalt  }
0x48: {  	_ =	shalt  }
0x49: {  	_ =	shalt  }
0x4a: {  	_ =	shalt  }
0x4b: {  	_ =	shalt  }
0x4c: {  	_ =	shalt  }
0x4d: {  	_ =	shalt  }
0x4e: {  	_ =	shalt  }
0x4f: {  	_ =	shalt  }
0x50: {  	_ =	shalt  }
0x51: {  	_ =	shalt  }
0x52: {  	_ =	shalt  }
0x53: {  	_ =	shalt  }
0x54: {  	_ =	shalt  }
0x55: {  	_ =	shalt  }
0x56: {  	_ =	shalt  }
0x57: {  	_ =	shalt  }
0x58: {  	_ =	shalt  }
0x59: {  	_ =	shalt  }
0x5a: {  	_ =	shalt  }
0x5b: {  	_ =	shalt  }
0x5c: {  	_ =	shalt  }
0x5d: {  	_ =	shalt  }
0x5e: {  	_ =	shalt  }
0x5f: {  	_ =	shalt  }
0x60: {  	_ =	shalt  }
0x61: {  	_ =	shalt  }
0x62: {  	_ =	shalt  }
0x63: {  	_ =	shalt  }
0x64: {  	_ =	shalt  }
0x65: {  	_ =	shalt  }
0x66: {  	_ =	shalt  }
0x67: {  	_ =	shalt  }
0x68: {  	_ =	shalt  }
0x69: {  	_ =	shalt  }
0x6a: {  	_ =	shalt  }
0x6b: {  	_ =	shalt  }
0x6c: {  	_ =	shalt  }
0x6d: {  	_ =	shalt  }
0x6e: {  	_ =	shalt  }
0x6f: {  	_ =	shalt  }
0x70: {  	_ =	shalt  }
0x71: {  	_ =	shalt  }
0x72: {  	_ =	shalt  }
0x73: {  	_ =	shalt  }
0x74: {  	_ =	shalt  }
0x75: {  	_ =	shalt  }
0x76: {  	_ =	shalt  }
0x77: {  	_ =	shalt  }
0x78: {  	_ =	shalt  }
0x79: {  	_ =	shalt  }
0x7a: {  	_ =	shalt  }
0x7b: {  	_ =	shalt  }
0x7c: {  	_ =	shalt  }
0x7d: {  	_ =	shalt  }
0x7e: {  	_ =	shalt  }
0x7f: {  	_ =	shalt  }
0x80: {  	_ =	shalt  }
0x81: {  	_ =	shalt  }
0x82: {  	_ =	shalt  }
0x83: {  	_ =	shalt  }
0x84: {  	_ =	shalt  }
0x85: {  	_ =	shalt  }
0x86: {  	_ =	shalt  }
0x87: {  	_ =	shalt  }
.Lfunc_end0:
.L_simem_size_0:
called_computation_lowered:
.L_overlay_start_0:
0x88: {  	s2 =	sld [smem:$0x3FD9]  }
0x89: {  	s3 =	sld [smem:$0x3FFE];
	_ =	sdelay $0x1  }
0x8a: {  	s1 =	srdreg.scid  }
0x8b: {  	s0 =	sand.u32 $0x1, s1  }
0x8c: {  	s14 =	sshll.u32 s0, $0xA;
	s2 =	sadd.s32 s3, s2  }
0x8d: {  	s2 =	sadd.s32 s2, s14  }
0x8e: {  	[smem:$0x3FC6] =	sst s2  }
0x8f: {  	_ = 	snop  }
0x90: {  	s2 =	sld [smem:$0x3FD0];
	_ =	sdelay $0x2  }
0x91: {  	s4 =	simm.s32 $0xA;
	s5 =	simm.s32 $0x10;
	s15 =	sld [smem:$0x3FC8]  }
0x92: {  	[smem:s5], [sflag:s4] =	dma.local [hbm:s2], $0x1  }
0x93: {  	_ =	swait.eq [sflag:s4], $0x1  }
0x94: {  	[sflag:s4] =	ssyncset.done $0x0  }
0x95: {  	[sflag:s4] =	ssyncadd.s32 $0xFFFFFFFF  }
0x96: {  	s16 =	sld [smem:$0x10];
	(tm) =	ssettm $0x1  }
0x97: {  	s17 =	sld [smem:$0x3FFB];
	_ =	sdelay $0x3  }
0x98: {  	_ =	strace s17  }
0x99: {  	s4 =	sld [smem:$0x3FFC];
	_ =	sdelay $0x3  }
0x9a: {  	_ =	strace s4  }
0x9b: {  	s4 =	sld [smem:$0x3FFD];
	_ =	sdelay $0x3  }
0x9c: {  	_ =	strace s4  }
0x9d: {  	_ =	strace $0x8FFFFFFF  }
0x9e: {  	s18 =	sld [smem:$0x3FDB];
	_ =	sdelay $0x1  }
0x9f: {  	s19 =	simm.s32 $_scs_section_size  }
0xa0: {  	s6 =	simm.s32 $_size__tile_overlayer_lowered;
	s7 =	simm.s32 $_tile_overlayer_lowered  }
0xa1: {  	s22 =	simm.s32 $0x1BFF;
	s21 =	sshll.u32 s7, $0x1;
	s4 =	sadd.s32 s19, s18  }
0xa2: {  	s8 =	simm.s32 $0x0;
	s20 =	sshll.u32 s6, $0x1;
	s6 =	sadd.s32 s21, s4  }
0xa3: {  	[timem:s8], [sflag:s22] =	dma.local [hbm:s6], s20  }
0xa4: {  	_ =	swait.ge [sflag:s22], s20  }
0xa5: {  	s5 =	ssub.s32 $0x0, s20;
	[sflag:s22] =	ssyncset.done $0x0  }
0xa6: {  	[sflag:s22] =	ssyncadd.s32 s5;
	_ =	sdelay $0x1  }
0xa7: {  	s23 =	simm.s32 $0x1B8B  }
0xa8: {  	_ =	swait.ge [sflag:s23], $0x1  }
0xa9: {  	[sflag:s23] =	ssyncset.done $0x0  }
0xaa: {  	s25 =	simm.s32 $0x1B8E;
	s24 =	sld [smem:$0x3FFE];
	[sflag:s23] =	ssyncadd.s32 $0xFFFFFFFF  }
0xab: {  	s26 =	simm.s32 $execute0_lowered;
	[smem:$0x3FD2] =	sst s25  }
0xac: {  	s6 =	sshll.u32 s26, $0x1;
	_ =	strace $0x80000046;
	[dreg:$0x1] =	wrdreg $0xFFFFFFFF  }
0xad: {  	s28 =	simm.s32 $_size_execute0_lowered;
	s4 =	sadd.s32 s4, s6;
	[dreg:$0x0] =	wrdreg $0x0  }
0xae: {  	s6 =	sshll.u32 s28, $0x1;
	[dreg:$0x2] =	wrdreg s4  }
0xaf: {  	[dreg:$0x3] =	wrdreg s6  }
0xb0: {  	[dreg:$0x4] =	wrdreg $0xC0  }
0xb1: {  	_ =	task [dreg:s8], $0x5FFFF  }
0xb2: {  	[dreg:$0x1] =	wrdreg $0xFFFFFFFF  }
0xb3: {  	[dreg:$0x0] =	wrdreg $0x60  }
0xb4: {  	[dreg:$0x2] =	wrdreg s15  }
0xb5: {  	[dreg:$0x3] =	wrdreg s24  }
0xb6: {  	[dreg:$0x4] =	wrdreg s16  }
0xb7: {  	[dreg:$0x5] =	wrdreg $0x9  }
0xb8: {  	_ =	task.clear_ibuf [dreg:s8], $0x6FFFF;
	_ =	strace $0x90000046  }
0xb9: {  	s29 =	simm.s32 $0x9;
	_ =	strace $0x80000048  }
0xba: {  	_ =	swait.ge [sflag:s29], $0x1  }
0xbb: {  	[sflag:s29] =	ssyncadd.s32 $0xFFFFFFFF  }
0xbc: {  	_ =	strace $0x90000048  }
0xbd: {  	_ =	sfence  }
0xbe: {  	s30 =	sld [smem:$0x0];
	_ =	sdelay $0x2  }
0xbf: {  	s31 =	sshll.u32 s1, $0xD;
	s1 =	sshrl.u32 s1, $0x2  }
0xc0: {  	s3 =	sand.u32 $0x4000, s31;
	s1 =	sadd.s32 s1, s30  }
0xc1: {  	s0 =	sor.u32 s3, s0;
	s1 =	sshll.u32 s1, $0x11  }
0xc2: {  	s0 =	sor.u32 s1, s0  }
0xc3: {  	s0 =	sadd.s32 $0x8F2B, s0  }
0xc4: {  	[sflag:s0] =	ssyncadd.remote.s32 $0x1  }
0xc5: {  	_ =	sfence.sel $0xFFFF  }
0xc6: {  	[dreg:$0x0] =	wrdreg $0xFFFFFFFF;
	(pc) =	sbr.abs _section_cstart, $3  }
0xc7: {  	[dreg:$0x1] =	wrdreg $0xFFFFFFFF  }
0xc8: {  	_ =	task.clear_ibuf [dreg:s8], $0x2FFFF;
	_ =	strace $0x9FFFFFFF  }
0xc9: {  	(tm) =	ssettm $0x7FFFFFFF  }
tec
execute0_lowered:
.L_overlay_start_1:
0x0: {  	(tag) =	ssettag $0x1  }
0x1: {  	s1 =	rddreg [dreg:$0x0]  }
0x2: {  	s0 =	srdreg.scid;
	s2 =	rddreg [dreg:$0x1]  }
0x3: {  	s3 =	stileid.u32;
	s5 =	rddreg [dreg:$0x2]  }
0x4: {  	s15 =	simm.s32 $0x2;
	s16 =	simm.s32 $0x3;
	s17 =	simm.s32 $0x4  }
0x5: {  	s19 =	simm.s32 $0xA00;
	s20 =	simm.s32 $0x1200;
	s21 =	simm.s32 $0x1A00  }
0x6: {  	s22 =	simm.s32 $0x2200;
	s28 =	simm.s32 $0x3A00;
	s29 =	simm.s32 $0x4200  }
0x7: {  	s30 =	simm.s32 $0x4A00;
	s31 =	simm.s32 $0x5200;
	s8 =	simm.s32 $0x6A00  }
0x8: {  	s9 =	simm.s32 $0x7200;
	s10 =	simm.s32 $0x7A00;
	s11 =	simm.s32 $0x8A00  }
0x9: {  	s12 =	simm.s32 $0x9A00;
	s13 =	simm.s32 $0xA200;
	s0 =	sand.u32 $0x1, s0  }
0xa: {  	s14 =	simm.s32 $0xAA00;
	s3 =	sshll.u32 s3, $0xA;
	s4 =	sshll.u32 s0, $0x9  }
0xb: {  	s0 =	ssub.s32 $0x2, s0;
	s4 =	sor.u32 s4, s3;
	s3 =	simm.s32 $0x0  }
0xc: {  	s24 =	sshrl.u32 s0, $0x1;
	s6 =	sshrl.u32 s4, $0x3;
	s4 =	sshll.u32 s4, $0x5  }
0xd: {  	[smem:$0x7FF] =	sst s3;
	s2 =	sadd.s32 s6, s2;
	s4 =	sadd.s32 s5, s4  }
0xe: {  	_ =	strace $0x80000047;
	s2 =	sadd.s32 $0x600, s2;
	[dreg:$0x8] =	wrdreg s4  }
0xf: {  	s0 =	ssub.s32 s0, s24;
	s23 =	sadd.s32 $0x1000, s4;
	[dreg:$0x4] =	wrdreg s2  }
0x10: {  	s24 =	simm.s32 $0x200;
	s25 =	sadd.s32 $0x2000, s4;
	[dreg:$0x5] =	wrdreg s23  }
0x11: {  	v2 =	vlaneseq.u32;
	s5 =	smax.u32 s0, $0x1;
	s26 =	sadd.s32 $0x3000, s4;
	[dreg:$0x6] =	wrdreg s25  }
0x12: {  	vm0 =	vmmov $0xffff;
	v1 =	vshrl.u32 v2, $0x3;
	s6 =	simm.s32 $0x6200;
	[dreg:$0x7] =	wrdreg s26;
	s25 =	simm.s32 $0x2A00  }
0x13: {  	v0 =	vand.u32 $0x7, v2;
	v2 =	vor.u32 $0x8, v2;
	v1 =	vmul.u32 $0x8, v1;
	s26 =	simm.s32 $0x3200;
	s2 =	simm.s32 $0x5A00;
	s23 =	simm.s32 $0x8200  }
.LBB2_1:
0x14: {  	s18 =	rddreg [dreg:$0x4];
	s0 =	simm.s32 $0x5  }
0x15: {  	[tilespmem:s3], [sflag:$0x5] =	stream.linear.gather [hbm4b:s18+s3], $0x200, $0x38;
	[tilespmem:$0x10200] =	vst v63  }
0x16: {  	_ =	swait.ge [sflag:s0], $0x200  }
0x17: {  	[sflag:s0] =	ssyncset.done $0x0  }
0x18: {  	[sflag:s0] =	ssyncadd.s32 $0xFFFFFE00  }
0x19: {  	v3 =	vld [tilespmem:$0x0];
	_ =	sdelay $0x4  }
0x1a: {  	v4 =	vshll.u32 v3, $0x1  }
0x1b: {  	v3 =	vand.u32 $0x7, v3;
	v4 =	vand.u32 $0xFFFFFFF0, v4  }
0x1c: {  	v3 =	vor.u32 v3, v4  }
0x1d: {  	v4 =	vperm.xlane v3, v0;
	_ =	sdelay $0x1  }
0x1e: {  	v3 =	vperm.xlane v3, v2;
	v4 =	vadd.s32 v1, v4;
	_ =	sdelay $0x1  }
0x1f: {  	v3 =	vadd.s32 v1, v3;
	_ =	sdelay $0x2  }
0x20: {  	[tilespmem:s24], [sflag:$0x1] =	stream.indirect_vreg.gather [hbm4b:s1+s3], $0x80, v4, vm0, $0xb8;
	[tilespmem:$0x10200] =	vst v63  }
0x21: {  	_ = 	snop  }
0x22: {  	[tilespmem:s19], [sflag:$0x1] =	stream.indirect_vreg.gather [hbm4b:s1+s3], $0x80, v3, vm0, $0xb8;
	[tilespmem:$0x10200] =	vst v63  }
0x23: {  	v3 =	vld [tilespmem:$0x10];
	_ =	sdelay $0x4  }
0x24: {  	v33 =	vshll.u32 v3, $0x1  }
0x25: {  	v3 =	vand.u32 $0x7, v3;
	v4 =	vand.u32 $0xFFFFFFF0, v33  }
0x26: {  	v3 =	vor.u32 v3, v4  }
0x27: {  	v4 =	vperm.xlane v3, v0;
	_ =	sdelay $0x1  }
0x28: {  	v3 =	vperm.xlane v3, v2;
	v4 =	vadd.s32 v1, v4;
	_ =	sdelay $0x1  }
0x29: {  	v3 =	vadd.s32 v1, v3;
	_ =	sdelay $0x2  }
0x2a: {  	[tilespmem:s20], [sflag:$0x1] =	stream.indirect_vreg.gather [hbm4b:s1+s3], $0x80, v4, vm0, $0xb8;
	[tilespmem:$0x10200] =	vst v63  }
0x2b: {  	_ = 	snop  }
0x2c: {  	[tilespmem:s21], [sflag:$0x1] =	stream.indirect_vreg.gather [hbm4b:s1+s3], $0x80, v3, vm0, $0xb8;
	[tilespmem:$0x10200] =	vst v63  }
0x2d: {  	v3 =	vld [tilespmem:$0x20];
	_ =	sdelay $0x4  }
0x2e: {  	v34 =	vshll.u32 v3, $0x1  }
0x2f: {  	v3 =	vand.u32 $0x7, v3;
	v4 =	vand.u32 $0xFFFFFFF0, v34  }
0x30: {  	v3 =	vor.u32 v3, v4  }
0x31: {  	v4 =	vperm.xlane v3, v0;
	_ =	sdelay $0x1  }
0x32: {  	v3 =	vperm.xlane v3, v2;
	v4 =	vadd.s32 v1, v4;
	_ =	sdelay $0x1  }
0x33: {  	v3 =	vadd.s32 v1, v3;
	_ =	sdelay $0x2  }
0x34: {  	[tilespmem:s22], [sflag:$0x1] =	stream.indirect_vreg.gather [hbm4b:s1+s3], $0x80, v4, vm0, $0xb8;
	[tilespmem:$0x10200] =	vst v63  }
0x35: {  	_ = 	snop  }
0x36: {  	[tilespmem:s25], [sflag:$0x1] =	stream.indirect_vreg.gather [hbm4b:s1+s3], $0x80, v3, vm0, $0xb8;
	[tilespmem:$0x10200] =	vst v63  }
0x37: {  	v3 =	vld [tilespmem:$0x30];
	_ =	sdelay $0x4  }
0x38: {  	v35 =	vshll.u32 v3, $0x1  }
0x39: {  	v3 =	vand.u32 $0x7, v3;
	v4 =	vand.u32 $0xFFFFFFF0, v35  }
0x3a: {  	v3 =	vor.u32 v3, v4  }
0x3b: {  	v4 =	vperm.xlane v3, v0;
	_ =	sdelay $0x1  }
0x3c: {  	v3 =	vperm.xlane v3, v2;
	v4 =	vadd.s32 v1, v4;
	_ =	sdelay $0x1  }
0x3d: {  	v3 =	vadd.s32 v1, v3;
	_ =	sdelay $0x2  }
0x3e: {  	[tilespmem:s26], [sflag:$0x1] =	stream.indirect_vreg.gather [hbm4b:s1+s3], $0x80, v4, vm0, $0xb8;
	[tilespmem:$0x10200] =	vst v63  }
0x3f: {  	_ = 	snop  }
0x40: {  	[tilespmem:s28], [sflag:$0x1] =	stream.indirect_vreg.gather [hbm4b:s1+s3], $0x80, v3, vm0, $0xb8;
	[tilespmem:$0x10200] =	vst v63  }
0x41: {  	v3 =	vld [tilespmem:$0x40];
	_ =	sdelay $0x4  }
0x42: {  	v36 =	vshll.u32 v3, $0x1  }
0x43: {  	v3 =	vand.u32 $0x7, v3;
	v4 =	vand.u32 $0xFFFFFFF0, v36  }
0x44: {  	v3 =	vor.u32 v3, v4  }
0x45: {  	v4 =	vperm.xlane v3, v0;
	_ =	sdelay $0x1  }
0x46: {  	v3 =	vperm.xlane v3, v2;
	v4 =	vadd.s32 v1, v4;
	_ =	sdelay $0x1  }
0x47: {  	v3 =	vadd.s32 v1, v3;
	_ =	sdelay $0x2  }
0x48: {  	[tilespmem:s29], [sflag:$0x1] =	stream.indirect_vreg.gather [hbm4b:s1+s3], $0x80, v4, vm0, $0xb8;
	[tilespmem:$0x10200] =	vst v63  }
0x49: {  	_ = 	snop  }
0x4a: {  	[tilespmem:s30], [sflag:$0x1] =	stream.indirect_vreg.gather [hbm4b:s1+s3], $0x80, v3, vm0, $0xb8;
	[tilespmem:$0x10200] =	vst v63  }
0x4b: {  	v3 =	vld [tilespmem:$0x50];
	_ =	sdelay $0x4  }
0x4c: {  	v37 =	vshll.u32 v3, $0x1  }
0x4d: {  	v3 =	vand.u32 $0x7, v3;
	v4 =	vand.u32 $0xFFFFFFF0, v37  }
0x4e: {  	v3 =	vor.u32 v3, v4  }
0x4f: {  	v4 =	vperm.xlane v3, v0;
	_ =	sdelay $0x1  }
0x50: {  	v3 =	vperm.xlane v3, v2;
	v4 =	vadd.s32 v1, v4;
	_ =	sdelay $0x1  }
0x51: {  	v3 =	vadd.s32 v1, v3;
	_ =	sdelay $0x2  }
0x52: {  	[tilespmem:s31], [sflag:$0x1] =	stream.indirect_vreg.gather [hbm4b:s1+s3], $0x80, v4, vm0, $0xb8;
	[tilespmem:$0x10200] =	vst v63  }
0x53: {  	_ = 	snop  }
0x54: {  	[tilespmem:s2], [sflag:$0x1] =	stream.indirect_vreg.gather [hbm4b:s1+s3], $0x80, v3, vm0, $0xb8;
	[tilespmem:$0x10200] =	vst v63  }
0x55: {  	v3 =	vld [tilespmem:$0x60];
	_ =	sdelay $0x4  }
0x56: {  	v38 =	vshll.u32 v3, $0x1  }
0x57: {  	v3 =	vand.u32 $0x7, v3;
	v4 =	vand.u32 $0xFFFFFFF0, v38  }
0x58: {  	v3 =	vor.u32 v3, v4  }
0x59: {  	v4 =	vperm.xlane v3, v0;
	_ =	sdelay $0x1  }
0x5a: {  	v3 =	vperm.xlane v3, v2;
	v4 =	vadd.s32 v1, v4;
	_ =	sdelay $0x1  }
0x5b: {  	v3 =	vadd.s32 v1, v3;
	_ =	sdelay $0x2  }
0x5c: {  	[tilespmem:s6], [sflag:$0x1] =	stream.indirect_vreg.gather [hbm4b:s1+s3], $0x80, v4, vm0, $0xb8;
	[tilespmem:$0x10200] =	vst v63  }
0x5d: {  	_ = 	snop  }
0x5e: {  	[tilespmem:s8], [sflag:$0x1] =	stream.indirect_vreg.gather [hbm4b:s1+s3], $0x80, v3, vm0, $0xb8;
	[tilespmem:$0x10200] =	vst v63  }
0x5f: {  	v3 =	vld [tilespmem:$0x70];
	_ =	sdelay $0x4  }
0x60: {  	v39 =	vshll.u32 v3, $0x1  }
0x61: {  	v3 =	vand.u32 $0x7, v3;
	v4 =	vand.u32 $0xFFFFFFF0, v39  }
0x62: {  	v3 =	vor.u32 v3, v4  }
0x63: {  	v4 =	vperm.xlane v3, v0;
	_ =	sdelay $0x1  }
0x64: {  	v3 =	vperm.xlane v3, v2;
	v4 =	vadd.s32 v1, v4;
	_ =	sdelay $0x1  }
0x65: {  	v3 =	vadd.s32 v1, v3;
	_ =	sdelay $0x2  }
0x66: {  	[tilespmem:s9], [sflag:$0x1] =	stream.indirect_vreg.gather [hbm4b:s1+s3], $0x80, v4, vm0, $0xb8;
	[tilespmem:$0x10200] =	vst v63  }
0x67: {  	s0 =	simm.s32 $0x1  }
0x68: {  	[tilespmem:s10], [sflag:$0x1] =	stream.indirect_vreg.gather [hbm4b:s1+s3], $0x80, v3, vm0, $0xb8;
	[tilespmem:$0x10200] =	vst v63  }
0x69: {  	_ =	swait.ge [sflag:s0], $0x8000  }
0x6a: {  	[sflag:s0] =	ssyncset.done $0x0  }
0x6b: {  	s4 =	rddreg [dreg:$0x8];
	[sflag:s0] =	ssyncadd.s32 $0xFFFF8000  }
0x6c: {  	[hbm4b:s4+s3] =	stream.linear.scatter [tilespmem:s24], [sflag:$0x3], $0x8000, $0x38;
	[tilespmem:$0x10200] =	vst v63  }
0x6d: {  	v3 =	vld [tilespmem:$0x80];
	_ =	sdelay $0x4  }
0x6e: {  	v40 =	vshll.u32 v3, $0x1  }
0x6f: {  	v3 =	vand.u32 $0x7, v3;
	v4 =	vand.u32 $0xFFFFFFF0, v40  }
0x70: {  	v3 =	vor.u32 v3, v4  }
0x71: {  	v4 =	vperm.xlane v3, v0;
	_ =	sdelay $0x1  }
0x72: {  	v3 =	vperm.xlane v3, v2;
	v4 =	vadd.s32 v1, v4;
	_ =	sdelay $0x1  }
0x73: {  	v3 =	vadd.s32 v1, v3;
	_ =	sdelay $0x2  }
0x74: {  	[tilespmem:s23], [sflag:$0x2] =	stream.indirect_vreg.gather [hbm4b:s1+s3], $0x80, v4, vm0, $0xb8;
	[tilespmem:$0x10200] =	vst v63  }
0x75: {  	_ = 	snop  }
0x76: {  	[tilespmem:s11], [sflag:$0x2] =	stream.indirect_vreg.gather [hbm4b:s1+s3], $0x80, v3, vm0, $0xb8;
	[tilespmem:$0x10200] =	vst v63  }
0x77: {  	v3 =	vld [tilespmem:$0x90];
	_ =	sdelay $0x4  }
0x78: {  	v41 =	vshll.u32 v3, $0x1  }
0x79: {  	v3 =	vand.u32 $0x7, v3;
	v4 =	vand.u32 $0xFFFFFFF0, v41  }
0x7a: {  	v3 =	vor.u32 v3, v4  }
0x7b: {  	v4 =	vperm.xlane v3, v0;
	_ =	sdelay $0x1  }
0x7c: {  	v3 =	vperm.xlane v3, v2;
	v4 =	vadd.s32 v1, v4;
	_ =	sdelay $0x1  }
0x7d: {  	v3 =	vadd.s32 v1, v3;
	_ =	sdelay $0x1  }
0x7e: {  	s4 =	simm.s32 $0x9200  }
0x7f: {  	[tilespmem:s4], [sflag:$0x2] =	stream.indirect_vreg.gather [hbm4b:s1+s3], $0x80, v4, vm0, $0xb8;
	[tilespmem:$0x10200] =	vst v63  }
0x80: {  	_ = 	snop  }
0x81: {  	[tilespmem:s12], [sflag:$0x2] =	stream.indirect_vreg.gather [hbm4b:s1+s3], $0x80, v3, vm0, $0xb8;
	[tilespmem:$0x10200] =	vst v63  }
0x82: {  	v3 =	vld [tilespmem:$0xA0];
	_ =	sdelay $0x4  }
0x83: {  	v42 =	vshll.u32 v3, $0x1  }
0x84: {  	v3 =	vand.u32 $0x7, v3;
	v4 =	vand.u32 $0xFFFFFFF0, v42  }
0x85: {  	v3 =	vor.u32 v3, v4  }
0x86: {  	v4 =	vperm.xlane v3, v0;
	_ =	sdelay $0x1  }
0x87: {  	v3 =	vperm.xlane v3, v2;
	v4 =	vadd.s32 v1, v4;
	_ =	sdelay $0x1  }
0x88: {  	v3 =	vadd.s32 v1, v3;
	_ =	sdelay $0x2  }
0x89: {  	[tilespmem:s13], [sflag:$0x2] =	stream.indirect_vreg.gather [hbm4b:s1+s3], $0x80, v4, vm0, $0xb8;
	[tilespmem:$0x10200] =	vst v63  }
0x8a: {  	_ = 	snop  }
0x8b: {  	[tilespmem:s14], [sflag:$0x2] =	stream.indirect_vreg.gather [hbm4b:s1+s3], $0x80, v3, vm0, $0xb8;
	[tilespmem:$0x10200] =	vst v63  }
0x8c: {  	v3 =	vld [tilespmem:$0xB0];
	_ =	sdelay $0x4  }
0x8d: {  	v43 =	vshll.u32 v3, $0x1  }
0x8e: {  	v3 =	vand.u32 $0x7, v3;
	v4 =	vand.u32 $0xFFFFFFF0, v43  }
0x8f: {  	v3 =	vor.u32 v3, v4  }
0x90: {  	v4 =	vperm.xlane v3, v0;
	_ =	sdelay $0x1  }
0x91: {  	v3 =	vperm.xlane v3, v2;
	v4 =	vadd.s32 v1, v4;
	_ =	sdelay $0x1  }
0x92: {  	v3 =	vadd.s32 v1, v3;
	_ =	sdelay $0x1  }
0x93: {  	s7 =	simm.s32 $0xB200  }
0x94: {  	[tilespmem:s7], [sflag:$0x2] =	stream.indirect_vreg.gather [hbm4b:s1+s3], $0x80, v4, vm0, $0xb8;
	[tilespmem:$0x10200] =	vst v63  }
0x95: {  	s7 =	simm.s32 $0xBA00  }
0x96: {  	[tilespmem:s7], [sflag:$0x2] =	stream.indirect_vreg.gather [hbm4b:s1+s3], $0x80, v3, vm0, $0xb8;
	[tilespmem:$0x10200] =	vst v63  }
0x97: {  	v3 =	vld [tilespmem:$0xC0];
	_ =	sdelay $0x4  }
0x98: {  	v44 =	vshll.u32 v3, $0x1  }
0x99: {  	v3 =	vand.u32 $0x7, v3;
	v4 =	vand.u32 $0xFFFFFFF0, v44  }
0x9a: {  	v3 =	vor.u32 v3, v4  }
0x9b: {  	v4 =	vperm.xlane v3, v0;
	_ =	sdelay $0x1  }
0x9c: {  	v3 =	vperm.xlane v3, v2;
	v4 =	vadd.s32 v1, v4;
	_ =	sdelay $0x1  }
0x9d: {  	v3 =	vadd.s32 v1, v3;
	_ =	sdelay $0x1  }
0x9e: {  	s18 =	simm.s32 $0xC200  }
0x9f: {  	[tilespmem:s18], [sflag:$0x2] =	stream.indirect_vreg.gather [hbm4b:s1+s3], $0x80, v4, vm0, $0xb8;
	[tilespmem:$0x10200] =	vst v63  }
0xa0: {  	s18 =	simm.s32 $0xCA00  }
0xa1: {  	[tilespmem:s18], [sflag:$0x2] =	stream.indirect_vreg.gather [hbm4b:s1+s3], $0x80, v3, vm0, $0xb8;
	[tilespmem:$0x10200] =	vst v63  }
0xa2: {  	v3 =	vld [tilespmem:$0xD0];
	_ =	sdelay $0x4  }
0xa3: {  	v45 =	vshll.u32 v3, $0x1  }
0xa4: {  	v3 =	vand.u32 $0x7, v3;
	v4 =	vand.u32 $0xFFFFFFF0, v45  }
0xa5: {  	v3 =	vor.u32 v3, v4  }
0xa6: {  	v4 =	vperm.xlane v3, v0;
	_ =	sdelay $0x1  }
0xa7: {  	v3 =	vperm.xlane v3, v2;
	v4 =	vadd.s32 v1, v4;
	_ =	sdelay $0x1  }
0xa8: {  	v3 =	vadd.s32 v1, v3;
	_ =	sdelay $0x1  }
0xa9: {  	s18 =	simm.s32 $0xD200  }
0xaa: {  	[tilespmem:s18], [sflag:$0x2] =	stream.indirect_vreg.gather [hbm4b:s1+s3], $0x80, v4, vm0, $0xb8;
	[tilespmem:$0x10200] =	vst v63  }
0xab: {  	s18 =	simm.s32 $0xDA00  }
0xac: {  	[tilespmem:s18], [sflag:$0x2] =	stream.indirect_vreg.gather [hbm4b:s1+s3], $0x80, v3, vm0, $0xb8;
	[tilespmem:$0x10200] =	vst v63  }
0xad: {  	v3 =	vld [tilespmem:$0xE0];
	_ =	sdelay $0x4  }
0xae: {  	v46 =	vshll.u32 v3, $0x1  }
0xaf: {  	v3 =	vand.u32 $0x7, v3;
	v4 =	vand.u32 $0xFFFFFFF0, v46  }
0xb0: {  	v3 =	vor.u32 v3, v4  }
0xb1: {  	v4 =	vperm.xlane v3, v0;
	_ =	sdelay $0x1  }
0xb2: {  	v3 =	vperm.xlane v3, v2;
	v4 =	vadd.s32 v1, v4;
	_ =	sdelay $0x1  }
0xb3: {  	v3 =	vadd.s32 v1, v3;
	_ =	sdelay $0x1  }
0xb4: {  	s18 =	simm.s32 $0xE200  }
0xb5: {  	[tilespmem:s18], [sflag:$0x2] =	stream.indirect_vreg.gather [hbm4b:s1+s3], $0x80, v4, vm0, $0xb8;
	[tilespmem:$0x10200] =	vst v63  }
0xb6: {  	s18 =	simm.s32 $0xEA00  }
0xb7: {  	[tilespmem:s18], [sflag:$0x2] =	stream.indirect_vreg.gather [hbm4b:s1+s3], $0x80, v3, vm0, $0xb8;
	[tilespmem:$0x10200] =	vst v63  }
0xb8: {  	v3 =	vld [tilespmem:$0xF0];
	_ =	sdelay $0x4  }
0xb9: {  	v47 =	vshll.u32 v3, $0x1  }
0xba: {  	v3 =	vand.u32 $0x7, v3;
	v4 =	vand.u32 $0xFFFFFFF0, v47  }
0xbb: {  	v3 =	vor.u32 v3, v4  }
0xbc: {  	v4 =	vperm.xlane v3, v0;
	_ =	sdelay $0x1  }
0xbd: {  	v3 =	vperm.xlane v3, v2;
	v4 =	vadd.s32 v1, v4;
	_ =	sdelay $0x1  }
0xbe: {  	v3 =	vadd.s32 v1, v3;
	_ =	sdelay $0x1  }
0xbf: {  	s18 =	simm.s32 $0xF200  }
0xc0: {  	[tilespmem:s18], [sflag:$0x2] =	stream.indirect_vreg.gather [hbm4b:s1+s3], $0x80, v4, vm0, $0xb8;
	[tilespmem:$0x10200] =	vst v63  }
0xc1: {  	s18 =	simm.s32 $0xFA00  }
0xc2: {  	[tilespmem:s18], [sflag:$0x2] =	stream.indirect_vreg.gather [hbm4b:s1+s3], $0x80, v3, vm0, $0xb8;
	[tilespmem:$0x10200] =	vst v63  }
0xc3: {  	_ =	swait.ge [sflag:s15], $0x8000  }
0xc4: {  	[sflag:s15] =	ssyncset.done $0x0  }
0xc5: {  	s18 =	rddreg [dreg:$0x5];
	[sflag:s15] =	ssyncadd.s32 $0xFFFF8000  }
0xc6: {  	[hbm4b:s18+s3] =	stream.linear.scatter [tilespmem:s23], [sflag:$0x4], $0x8000, $0x38;
	[tilespmem:$0x10200] =	vst v63  }
0xc7: {  	_ =	swait.ge [sflag:s16], $0x8000  }
0xc8: {  	[sflag:s16] =	ssyncset.done $0x0  }
0xc9: {  	[sflag:s16] =	ssyncadd.s32 $0xFFFF8000  }
0xca: {  	v3 =	vld [tilespmem:$0x100];
	_ =	sdelay $0x4  }
0xcb: {  	v48 =	vshll.u32 v3, $0x1  }
0xcc: {  	v3 =	vand.u32 $0x7, v3;
	v4 =	vand.u32 $0xFFFFFFF0, v48  }
0xcd: {  	v3 =	vor.u32 v3, v4  }
0xce: {  	v4 =	vperm.xlane v3, v0;
	_ =	sdelay $0x1  }
0xcf: {  	v3 =	vperm.xlane v3, v2;
	v4 =	vadd.s32 v1, v4;
	_ =	sdelay $0x1  }
0xd0: {  	v3 =	vadd.s32 v1, v3;
	_ =	sdelay $0x2  }
0xd1: {  	[tilespmem:s24], [sflag:$0x1] =	stream.indirect_vreg.gather [hbm4b:s1+s3], $0x80, v4, vm0, $0xb8;
	[tilespmem:$0x10200] =	vst v63  }
0xd2: {  	_ = 	snop  }
0xd3: {  	[tilespmem:s19], [sflag:$0x1] =	stream.indirect_vreg.gather [hbm4b:s1+s3], $0x80, v3, vm0, $0xb8;
	[tilespmem:$0x10200] =	vst v63  }
0xd4: {  	v3 =	vld [tilespmem:$0x110];
	_ =	sdelay $0x4  }
0xd5: {  	v49 =	vshll.u32 v3, $0x1  }
0xd6: {  	v3 =	vand.u32 $0x7, v3;
	v4 =	vand.u32 $0xFFFFFFF0, v49  }
0xd7: {  	v3 =	vor.u32 v3, v4  }
0xd8: {  	v4 =	vperm.xlane v3, v0;
	_ =	sdelay $0x1  }
0xd9: {  	v3 =	vperm.xlane v3, v2;
	v4 =	vadd.s32 v1, v4;
	_ =	sdelay $0x1  }
0xda: {  	v3 =	vadd.s32 v1, v3;
	_ =	sdelay $0x2  }
0xdb: {  	[tilespmem:s20], [sflag:$0x1] =	stream.indirect_vreg.gather [hbm4b:s1+s3], $0x80, v4, vm0, $0xb8;
	[tilespmem:$0x10200] =	vst v63  }
0xdc: {  	_ = 	snop  }
0xdd: {  	[tilespmem:s21], [sflag:$0x1] =	stream.indirect_vreg.gather [hbm4b:s1+s3], $0x80, v3, vm0, $0xb8;
	[tilespmem:$0x10200] =	vst v63  }
0xde: {  	v3 =	vld [tilespmem:$0x120];
	_ =	sdelay $0x4  }
0xdf: {  	v50 =	vshll.u32 v3, $0x1  }
0xe0: {  	v3 =	vand.u32 $0x7, v3;
	v4 =	vand.u32 $0xFFFFFFF0, v50  }
0xe1: {  	v3 =	vor.u32 v3, v4  }
0xe2: {  	v4 =	vperm.xlane v3, v0;
	_ =	sdelay $0x1  }
0xe3: {  	v3 =	vperm.xlane v3, v2;
	v4 =	vadd.s32 v1, v4;
	_ =	sdelay $0x1  }
0xe4: {  	v3 =	vadd.s32 v1, v3;
	_ =	sdelay $0x2  }
0xe5: {  	[tilespmem:s22], [sflag:$0x1] =	stream.indirect_vreg.gather [hbm4b:s1+s3], $0x80, v4, vm0, $0xb8;
	[tilespmem:$0x10200] =	vst v63  }
0xe6: {  	_ = 	snop  }
0xe7: {  	[tilespmem:s25], [sflag:$0x1] =	stream.indirect_vreg.gather [hbm4b:s1+s3], $0x80, v3, vm0, $0xb8;
	[tilespmem:$0x10200] =	vst v63  }
0xe8: {  	v3 =	vld [tilespmem:$0x130];
	_ =	sdelay $0x4  }
0xe9: {  	v51 =	vshll.u32 v3, $0x1  }
0xea: {  	v3 =	vand.u32 $0x7, v3;
	v4 =	vand.u32 $0xFFFFFFF0, v51  }
0xeb: {  	v3 =	vor.u32 v3, v4  }
0xec: {  	v4 =	vperm.xlane v3, v0;
	_ =	sdelay $0x1  }
0xed: {  	v3 =	vperm.xlane v3, v2;
	v4 =	vadd.s32 v1, v4;
	_ =	sdelay $0x1  }
0xee: {  	v3 =	vadd.s32 v1, v3;
	_ =	sdelay $0x2  }
0xef: {  	[tilespmem:s26], [sflag:$0x1] =	stream.indirect_vreg.gather [hbm4b:s1+s3], $0x80, v4, vm0, $0xb8;
	[tilespmem:$0x10200] =	vst v63  }
0xf0: {  	_ = 	snop  }
0xf1: {  	[tilespmem:s28], [sflag:$0x1] =	stream.indirect_vreg.gather [hbm4b:s1+s3], $0x80, v3, vm0, $0xb8;
	[tilespmem:$0x10200] =	vst v63  }
0xf2: {  	v3 =	vld [tilespmem:$0x140];
	_ =	sdelay $0x4  }
0xf3: {  	v52 =	vshll.u32 v3, $0x1  }
0xf4: {  	v3 =	vand.u32 $0x7, v3;
	v4 =	vand.u32 $0xFFFFFFF0, v52  }
0xf5: {  	v3 =	vor.u32 v3, v4  }
0xf6: {  	v4 =	vperm.xlane v3, v0;
	_ =	sdelay $0x1  }
0xf7: {  	v3 =	vperm.xlane v3, v2;
	v4 =	vadd.s32 v1, v4;
	_ =	sdelay $0x1  }
0xf8: {  	v3 =	vadd.s32 v1, v3;
	_ =	sdelay $0x2  }
0xf9: {  	[tilespmem:s29], [sflag:$0x1] =	stream.indirect_vreg.gather [hbm4b:s1+s3], $0x80, v4, vm0, $0xb8;
	[tilespmem:$0x10200] =	vst v63  }
0xfa: {  	_ = 	snop  }
0xfb: {  	[tilespmem:s30], [sflag:$0x1] =	stream.indirect_vreg.gather [hbm4b:s1+s3], $0x80, v3, vm0, $0xb8;
	[tilespmem:$0x10200] =	vst v63  }
0xfc: {  	v3 =	vld [tilespmem:$0x150];
	_ =	sdelay $0x4  }
0xfd: {  	v53 =	vshll.u32 v3, $0x1  }
0xfe: {  	v3 =	vand.u32 $0x7, v3;
	v4 =	vand.u32 $0xFFFFFFF0, v53  }
0xff: {  	v3 =	vor.u32 v3, v4  }
0x100: {  	v4 =	vperm.xlane v3, v0;
	_ =	sdelay $0x1  }
0x101: {  	v3 =	vperm.xlane v3, v2;
	v4 =	vadd.s32 v1, v4;
	_ =	sdelay $0x1  }
0x102: {  	v3 =	vadd.s32 v1, v3;
	_ =	sdelay $0x2  }
0x103: {  	[tilespmem:s31], [sflag:$0x1] =	stream.indirect_vreg.gather [hbm4b:s1+s3], $0x80, v4, vm0, $0xb8;
	[tilespmem:$0x10200] =	vst v63  }
0x104: {  	_ = 	snop  }
0x105: {  	[tilespmem:s2], [sflag:$0x1] =	stream.indirect_vreg.gather [hbm4b:s1+s3], $0x80, v3, vm0, $0xb8;
	[tilespmem:$0x10200] =	vst v63  }
0x106: {  	v3 =	vld [tilespmem:$0x160];
	_ =	sdelay $0x4  }
0x107: {  	v54 =	vshll.u32 v3, $0x1  }
0x108: {  	v3 =	vand.u32 $0x7, v3;
	v4 =	vand.u32 $0xFFFFFFF0, v54  }
0x109: {  	v3 =	vor.u32 v3, v4  }
0x10a: {  	v4 =	vperm.xlane v3, v0;
	_ =	sdelay $0x1  }
0x10b: {  	v3 =	vperm.xlane v3, v2;
	v4 =	vadd.s32 v1, v4;
	_ =	sdelay $0x1  }
0x10c: {  	v3 =	vadd.s32 v1, v3;
	_ =	sdelay $0x2  }
0x10d: {  	[tilespmem:s6], [sflag:$0x1] =	stream.indirect_vreg.gather [hbm4b:s1+s3], $0x80, v4, vm0, $0xb8;
	[tilespmem:$0x10200] =	vst v63  }
0x10e: {  	_ = 	snop  }
0x10f: {  	[tilespmem:s8], [sflag:$0x1] =	stream.indirect_vreg.gather [hbm4b:s1+s3], $0x80, v3, vm0, $0xb8;
	[tilespmem:$0x10200] =	vst v63  }
0x110: {  	v3 =	vld [tilespmem:$0x170];
	_ =	sdelay $0x4  }
0x111: {  	v55 =	vshll.u32 v3, $0x1  }
0x112: {  	v3 =	vand.u32 $0x7, v3;
	v4 =	vand.u32 $0xFFFFFFF0, v55  }
0x113: {  	v3 =	vor.u32 v3, v4  }
0x114: {  	v4 =	vperm.xlane v3, v0;
	_ =	sdelay $0x1  }
0x115: {  	v3 =	vperm.xlane v3, v2;
	v4 =	vadd.s32 v1, v4;
	_ =	sdelay $0x1  }
0x116: {  	v3 =	vadd.s32 v1, v3;
	_ =	sdelay $0x2  }
0x117: {  	[tilespmem:s9], [sflag:$0x1] =	stream.indirect_vreg.gather [hbm4b:s1+s3], $0x80, v4, vm0, $0xb8;
	[tilespmem:$0x10200] =	vst v63  }
0x118: {  	_ = 	snop  }
0x119: {  	[tilespmem:s10], [sflag:$0x1] =	stream.indirect_vreg.gather [hbm4b:s1+s3], $0x80, v3, vm0, $0xb8;
	[tilespmem:$0x10200] =	vst v63  }
0x11a: {  	_ =	swait.ge [sflag:s0], $0x8000  }
0x11b: {  	[sflag:s0] =	ssyncset.done $0x0  }
0x11c: {  	s18 =	rddreg [dreg:$0x6];
	[sflag:s0] =	ssyncadd.s32 $0xFFFF8000  }
0x11d: {  	[hbm4b:s18+s3] =	stream.linear.scatter [tilespmem:s24], [sflag:$0x3], $0x8000, $0x38;
	[tilespmem:$0x10200] =	vst v63  }
0x11e: {  	_ =	swait.ge [sflag:s17], $0x8000  }
0x11f: {  	[sflag:s17] =	ssyncset.done $0x0  }
0x120: {  	[sflag:s17] =	ssyncadd.s32 $0xFFFF8000  }
0x121: {  	v3 =	vld [tilespmem:$0x180];
	_ =	sdelay $0x4  }
0x122: {  	v56 =	vshll.u32 v3, $0x1  }
0x123: {  	v3 =	vand.u32 $0x7, v3;
	v4 =	vand.u32 $0xFFFFFFF0, v56  }
0x124: {  	v3 =	vor.u32 v3, v4  }
0x125: {  	v4 =	vperm.xlane v3, v0;
	_ =	sdelay $0x1  }
0x126: {  	v3 =	vperm.xlane v3, v2;
	v4 =	vadd.s32 v1, v4;
	_ =	sdelay $0x1  }
0x127: {  	v3 =	vadd.s32 v1, v3;
	_ =	sdelay $0x2  }
0x128: {  	[tilespmem:s23], [sflag:$0x2] =	stream.indirect_vreg.gather [hbm4b:s1+s3], $0x80, v4, vm0, $0xb8;
	[tilespmem:$0x10200] =	vst v63  }
0x129: {  	_ = 	snop  }
0x12a: {  	[tilespmem:s11], [sflag:$0x2] =	stream.indirect_vreg.gather [hbm4b:s1+s3], $0x80, v3, vm0, $0xb8;
	[tilespmem:$0x10200] =	vst v63  }
0x12b: {  	v3 =	vld [tilespmem:$0x190];
	_ =	sdelay $0x4  }
0x12c: {  	v57 =	vshll.u32 v3, $0x1  }
0x12d: {  	v3 =	vand.u32 $0x7, v3;
	v4 =	vand.u32 $0xFFFFFFF0, v57  }
0x12e: {  	v3 =	vor.u32 v3, v4  }
0x12f: {  	v4 =	vperm.xlane v3, v0;
	_ =	sdelay $0x1  }
0x130: {  	v3 =	vperm.xlane v3, v2;
	v4 =	vadd.s32 v1, v4;
	_ =	sdelay $0x1  }
0x131: {  	v3 =	vadd.s32 v1, v3;
	_ =	sdelay $0x2  }
0x132: {  	[tilespmem:s4], [sflag:$0x2] =	stream.indirect_vreg.gather [hbm4b:s1+s3], $0x80, v4, vm0, $0xb8;
	[tilespmem:$0x10200] =	vst v63  }
0x133: {  	_ = 	snop  }
0x134: {  	[tilespmem:s12], [sflag:$0x2] =	stream.indirect_vreg.gather [hbm4b:s1+s3], $0x80, v3, vm0, $0xb8;
	[tilespmem:$0x10200] =	vst v63  }
0x135: {  	v3 =	vld [tilespmem:$0x1A0];
	_ =	sdelay $0x4  }
0x136: {  	v58 =	vshll.u32 v3, $0x1  }
0x137: {  	v3 =	vand.u32 $0x7, v3;
	v4 =	vand.u32 $0xFFFFFFF0, v58  }
0x138: {  	v3 =	vor.u32 v3, v4  }
0x139: {  	v4 =	vperm.xlane v3, v0;
	_ =	sdelay $0x1  }
0x13a: {  	v3 =	vperm.xlane v3, v2;
	v4 =	vadd.s32 v1, v4;
	_ =	sdelay $0x1  }
0x13b: {  	v3 =	vadd.s32 v1, v3;
	_ =	sdelay $0x2  }
0x13c: {  	[tilespmem:s13], [sflag:$0x2] =	stream.indirect_vreg.gather [hbm4b:s1+s3], $0x80, v4, vm0, $0xb8;
	[tilespmem:$0x10200] =	vst v63  }
0x13d: {  	_ = 	snop  }
0x13e: {  	[tilespmem:s14], [sflag:$0x2] =	stream.indirect_vreg.gather [hbm4b:s1+s3], $0x80, v3, vm0, $0xb8;
	[tilespmem:$0x10200] =	vst v63  }
0x13f: {  	v3 =	vld [tilespmem:$0x1B0];
	_ =	sdelay $0x4  }
0x140: {  	v59 =	vshll.u32 v3, $0x1  }
0x141: {  	v3 =	vand.u32 $0x7, v3;
	v4 =	vand.u32 $0xFFFFFFF0, v59  }
0x142: {  	v3 =	vor.u32 v3, v4  }
0x143: {  	v4 =	vperm.xlane v3, v0;
	_ =	sdelay $0x1  }
0x144: {  	v3 =	vperm.xlane v3, v2;
	v4 =	vadd.s32 v1, v4;
	_ =	sdelay $0x1  }
0x145: {  	v3 =	vadd.s32 v1, v3;
	_ =	sdelay $0x1  }
0x146: {  	s4 =	simm.s32 $0xB200  }
0x147: {  	[tilespmem:s4], [sflag:$0x2] =	stream.indirect_vreg.gather [hbm4b:s1+s3], $0x80, v4, vm0, $0xb8;
	[tilespmem:$0x10200] =	vst v63  }
0x148: {  	_ = 	snop  }
0x149: {  	[tilespmem:s7], [sflag:$0x2] =	stream.indirect_vreg.gather [hbm4b:s1+s3], $0x80, v3, vm0, $0xb8;
	[tilespmem:$0x10200] =	vst v63  }
0x14a: {  	v3 =	vld [tilespmem:$0x1C0];
	_ =	sdelay $0x4  }
0x14b: {  	v60 =	vshll.u32 v3, $0x1  }
0x14c: {  	v3 =	vand.u32 $0x7, v3;
	v4 =	vand.u32 $0xFFFFFFF0, v60  }
0x14d: {  	v3 =	vor.u32 v3, v4  }
0x14e: {  	v4 =	vperm.xlane v3, v0;
	_ =	sdelay $0x1  }
0x14f: {  	v3 =	vperm.xlane v3, v2;
	v4 =	vadd.s32 v1, v4;
	_ =	sdelay $0x1  }
0x150: {  	v3 =	vadd.s32 v1, v3;
	_ =	sdelay $0x1  }
0x151: {  	s18 =	simm.s32 $0xC200  }
0x152: {  	[tilespmem:s18], [sflag:$0x2] =	stream.indirect_vreg.gather [hbm4b:s1+s3], $0x80, v4, vm0, $0xb8;
	[tilespmem:$0x10200] =	vst v63  }
0x153: {  	s4 =	simm.s32 $0xCA00  }
0x154: {  	[tilespmem:s4], [sflag:$0x2] =	stream.indirect_vreg.gather [hbm4b:s1+s3], $0x80, v3, vm0, $0xb8;
	[tilespmem:$0x10200] =	vst v63  }
0x155: {  	v3 =	vld [tilespmem:$0x1D0];
	_ =	sdelay $0x4  }
0x156: {  	v61 =	vshll.u32 v3, $0x1  }
0x157: {  	v3 =	vand.u32 $0x7, v3;
	v4 =	vand.u32 $0xFFFFFFF0, v61  }
0x158: {  	v3 =	vor.u32 v3, v4  }
0x159: {  	v4 =	vperm.xlane v3, v0;
	_ =	sdelay $0x1  }
0x15a: {  	v3 =	vperm.xlane v3, v2;
	v4 =	vadd.s32 v1, v4;
	_ =	sdelay $0x1  }
0x15b: {  	v3 =	vadd.s32 v1, v3;
	_ =	sdelay $0x1  }
0x15c: {  	s7 =	simm.s32 $0xD200  }
0x15d: {  	[tilespmem:s7], [sflag:$0x2] =	stream.indirect_vreg.gather [hbm4b:s1+s3], $0x80, v4, vm0, $0xb8;
	[tilespmem:$0x10200] =	vst v63  }
0x15e: {  	s18 =	simm.s32 $0xDA00  }
0x15f: {  	[tilespmem:s18], [sflag:$0x2] =	stream.indirect_vreg.gather [hbm4b:s1+s3], $0x80, v3, vm0, $0xb8;
	[tilespmem:$0x10200] =	vst v63  }
0x160: {  	v3 =	vld [tilespmem:$0x1E0];
	_ =	sdelay $0x4  }
0x161: {  	v62 =	vshll.u32 v3, $0x1  }
0x162: {  	v3 =	vand.u32 $0x7, v3;
	v4 =	vand.u32 $0xFFFFFFF0, v62  }
0x163: {  	v3 =	vor.u32 v3, v4  }
0x164: {  	v4 =	vperm.xlane v3, v0;
	_ =	sdelay $0x1  }
0x165: {  	v3 =	vperm.xlane v3, v2;
	v4 =	vadd.s32 v1, v4;
	_ =	sdelay $0x1  }
0x166: {  	v3 =	vadd.s32 v1, v3;
	_ =	sdelay $0x1  }
0x167: {  	s4 =	simm.s32 $0xE200  }
0x168: {  	[tilespmem:s4], [sflag:$0x2] =	stream.indirect_vreg.gather [hbm4b:s1+s3], $0x80, v4, vm0, $0xb8;
	[tilespmem:$0x10200] =	vst v63  }
0x169: {  	s7 =	simm.s32 $0xEA00  }
0x16a: {  	[tilespmem:s7], [sflag:$0x2] =	stream.indirect_vreg.gather [hbm4b:s1+s3], $0x80, v3, vm0, $0xb8;
	[tilespmem:$0x10200] =	vst v63  }
0x16b: {  	v3 =	vld [tilespmem:$0x1F0];
	_ =	sdelay $0x4  }
0x16c: {  	v63 =	vshll.u32 v3, $0x1  }
0x16d: {  	v3 =	vand.u32 $0x7, v3;
	v4 =	vand.u32 $0xFFFFFFF0, v63  }
0x16e: {  	v3 =	vor.u32 v3, v4  }
0x16f: {  	v4 =	vperm.xlane v3, v0;
	_ =	sdelay $0x1  }
0x170: {  	v3 =	vperm.xlane v3, v2;
	v4 =	vadd.s32 v1, v4;
	_ =	sdelay $0x1  }
0x171: {  	v3 =	vadd.s32 v1, v3;
	_ =	sdelay $0x1  }
0x172: {  	s18 =	simm.s32 $0xF200  }
0x173: {  	[tilespmem:s18], [sflag:$0x2] =	stream.indirect_vreg.gather [hbm4b:s1+s3], $0x80, v4, vm0, $0xb8;
	[tilespmem:$0x10200] =	vst v63  }
0x174: {  	s4 =	simm.s32 $0xFA00  }
0x175: {  	[tilespmem:s4], [sflag:$0x2] =	stream.indirect_vreg.gather [hbm4b:s1+s3], $0x80, v3, vm0, $0xb8;
	[tilespmem:$0x10200] =	vst v63  }
0x176: {  	_ =	swait.ge [sflag:s15], $0x8000  }
0x177: {  	[sflag:s15] =	ssyncset.done $0x0  }
0x178: {  	s7 =	rddreg [dreg:$0x7];
	[sflag:s15] =	ssyncadd.s32 $0xFFFF8000  }
0x179: {  	[hbm4b:s7+s3] =	stream.linear.scatter [tilespmem:s23], [sflag:$0x4], $0x8000, $0x38;
	[tilespmem:$0x10200] =	vst v63  }
0x17a: {  	p0 =	sne.s32 s5, $0x1;
	_ =	swait.ge [sflag:s16], $0x8000  }
.Ltmp0:
0x17b: {  	[sflag:s16] =	ssyncset.done $0x0;
	(pc) =	sbr.rel @p0 .LBB2_1-.Ltmp0, $4  }
0x17c: {  	[sflag:s16] =	ssyncadd.s32 $0xFFFF8000  }
0x17d: {  	_ =	swait.ge [sflag:s17], $0x8000  }
0x17e: {  	[sflag:s17] =	ssyncset.done $0x0  }
0x17f: {  	s5 =	sadd.s32 $0xFFFFFFFF, s5;
	[sflag:s17] =	ssyncadd.s32 $0xFFFF8000  }
0x180: {  	_ =	sfence.sel $0x180000  }
0x181: {  	[bflag:$0x0] =	sbarrier.arrive $0xFFFF  }
0x182: {  	_ =	strace $0x90000047  }
0x183: {  	s0 =	stileid.u32;
	[bflag:$0x2] =	sbarrier.arrive $0xFFFF  }
0x184: {  	p0 =	sne.s32 s0, $0x0;
	s0 =	rddreg [dreg:$0x3]  }
0x185: {  	s0 =	sadd.s32 @!p0 $0x100000, s0  }
0x186: {  	[sflag:s0] =	ssyncadd.tile.s32 @!p0 $0x1;
	_ =	shalt  }
.Lfunc_end2:
_tile_overlayer_lowered:
.L_overlay_start_2:
0x187: {  	(tag) =	ssettag $0x2  }
0x188: {  	s0 =	rddreg [dreg:$0x0];
	s2 =	stileid.u32  }
0x189: {  	s1 =	rddreg [dreg:$0x1];
	p0 =	sne.s32 s2, $0x0  }
0x18a: {  	s3 =	rddreg [dreg:$0x2];
	[bflag:$0x3] =	sbarrier.arrive $0xFFFF;
	s2 =	simm.s32 @!p0 $0x1C05  }
0x18b: {  	[timem:s3], [sflag:s2] =	dma.local @!p0 [hbm:s0], s1  }
0x18c: {  	s0 =	simm.s32 @!p0 $0x5  }
0x18d: {  	_ =	swait.ge @!p0 [sflag:s0], s1  }
0x18e: {  	s1 =	ssub.s32 @!p0 $0x0, s1;
	[sflag:s0] =	ssyncset.done @!p0 $0x0  }
0x18f: {  	[sflag:s0] =	ssyncadd.s32 @!p0 s1  }
0x190: {  	[bflag:$0x3] =	sbarrier.arrive $0xFFFF  }
0x191: {  	_ =	shalt  }

</sc_bundles>
